<compile_context>
chip_gen: v7x
topology: tpu7x:2x2x1
jax: 0.10.2.dev20260603
libtpu: 0.0.44.dev20260713+nightly
codegen_flags: <defaults>
</compile_context>

<pallas_src>
import functools

import jax
import jax.numpy as jnp
from jax import lax
from jax.experimental import pallas as pl
from jax.experimental.pallas import tpu as pltpu
from jax.experimental.pallas import tpu_sc as plsc

HIDDEN = 2048
NUM_EXPERTS = 16
TOP_K = 2
EPS = 1e-6
TOKENS = 8192

BLOCK_T = 1024

_SC_INFO = plsc.get_sparse_core_info()
_NC, _NS, _NL = _SC_INFO.num_cores, _SC_INFO.num_subcores, _SC_INFO.num_lanes
_NW = _NC * _NS
_TOK_W = TOKENS // _NW
_GROUPS = _TOK_W // _NL


def _dense_body(xb, scale_row, w):
    ms = jnp.mean(xb * xb, axis=-1, keepdims=True)
    y = xb * lax.rsqrt(ms + EPS)
    y = y * scale_row
    y = y * (HIDDEN ** -0.5)
    logits = lax.dot_general(
        y, w,
        dimension_numbers=(((1,), (1,)), ((), ())),
        preferred_element_type=jnp.float32,
    )
    m = jnp.max(logits, axis=-1, keepdims=True)
    e = jnp.exp(logits - m)
    return e / jnp.sum(e, axis=-1, keepdims=True)


def _dense_block(x_ref, scale_ref, w_ref, p_ref):
    p_ref[...] = _dense_body(x_ref[...], scale_ref[...], w_ref[...])


_TOKW = TOKENS // _NW
_NGROUPS = _TOKW // _NL


def _sc_router(probs_hbm, pes_hbm, out_hbm,
               pv, pesv, outv, sem_p, sem_s):
    wid = lax.axis_index("s") * _NC + lax.axis_index("c")
    base = wid * _TOKW
    cp_p = pltpu.async_copy(probs_hbm.at[pl.ds(base, _TOKW), :], pv, sem_p)
    cp_s = pltpu.async_copy(pes_hbm, pesv, sem_s)
    cp_p.wait()
    cp_s.wait()
    lanes = lax.iota(jnp.int32, _NL)

    @plsc.parallel_loop(0, _NGROUPS, unroll=2)
    def group_body(g):
        rows = g * _NL + lanes
        m1 = jnp.full((_NL,), -jnp.inf, jnp.float32)
        m2 = jnp.full((_NL,), -jnp.inf, jnp.float32)
        i1 = jnp.zeros((_NL,), jnp.int32)
        i2 = jnp.zeros((_NL,), jnp.int32)
        for e in range(NUM_EXPERTS):
            v = plsc.load_gather(pv, [rows, jnp.full((_NL,), e, jnp.int32)])
            is1 = v > m1
            is2 = jnp.logical_not(is1) & (v > m2)
            m2 = jnp.where(is1, m1, jnp.where(is2, v, m2))
            i2 = jnp.where(is1, i1, jnp.where(is2, e, i2))
            m1 = jnp.where(is1, v, m1)
            i1 = jnp.where(is1, e, i1)
        g1 = plsc.load_gather(pesv, [i1])
        g2 = plsc.load_gather(pesv, [i2])
        s = m1 + m2
        sl = pl.ds(g * _NL, _NL)
        outv[0, sl] = plsc.bitcast(i1, jnp.float32)
        outv[1, sl] = plsc.bitcast(i2, jnp.float32)
        outv[2, sl] = (m1 / s) * g1
        outv[3, sl] = (m2 / s) * g2

    pltpu.sync_copy(outv, out_hbm.at[wid])


_sc_router_full = functools.partial(
    pl.kernel,
    out_type=jax.ShapeDtypeStruct((_NW, 4, _TOKW), jnp.float32),
    mesh=plsc.VectorSubcoreMesh(core_axis_name="c", subcore_axis_name="s"),
    compiler_params=pltpu.CompilerParams(needs_layout_passes=False),
    scratch_types=[
        pltpu.VMEM((_TOKW, NUM_EXPERTS), jnp.float32),
        pltpu.VMEM((NUM_EXPERTS,), jnp.float32),
        pltpu.VMEM((4, _TOKW), jnp.float32),
        pltpu.SemaphoreType.DMA,
        pltpu.SemaphoreType.DMA,
    ],
)(_sc_router)


@jax.jit
def kernel(x, scale, per_expert_scale, W_proj):
    scale2d = scale.reshape(1, HIDDEN)
    probs = pl.pallas_call(
        _dense_block,
        grid=(TOKENS // BLOCK_T,),
        in_specs=[
            pl.BlockSpec((BLOCK_T, HIDDEN), lambda i: (i, 0)),
            pl.BlockSpec((1, HIDDEN), lambda i: (0, 0)),
            pl.BlockSpec((NUM_EXPERTS, HIDDEN), lambda i: (0, 0)),
        ],
        out_specs=pl.BlockSpec((BLOCK_T, NUM_EXPERTS), lambda i: (i, 0)),
        out_shape=jax.ShapeDtypeStruct((TOKENS, NUM_EXPERTS), jnp.float32),
    )(x, scale2d, W_proj)
    packed = _sc_router_full(probs, per_expert_scale)
    i1 = packed[:, 0, :].reshape(-1).view(jnp.int32)
    i2 = packed[:, 1, :].reshape(-1).view(jnp.int32)
    w1 = packed[:, 2, :].reshape(-1)
    w2 = packed[:, 3, :].reshape(-1)
    idx = jnp.stack([i1, i2], axis=1).astype(jnp.int64)
    wgt = jnp.stack([w1, w2], axis=1)
    return idx, wgt

# --- scband reference (transcript-rebuilt; emitter-appended) ---
"""Pipeline reference for scband-gemma4-router-46969762349449 (READ-ONLY COPY).

The authoritative reference and input builder live on the scoring server;
editing this copy changes nothing except your own understanding.
"""

import jax, jax.numpy as jnp
import numpy as np

HIDDEN = 2048
NUM_EXPERTS = 16
TOP_K = 2
EPS = 1e-6
TOKENS = 8192

def setup_inputs(seed: int = 0) -> dict:
    key = jax.random.key(seed)
    k1, k2, k3, k4 = jax.random.split(key, 4)
    x = jax.random.normal(k1, (TOKENS, HIDDEN), dtype=jnp.float32)
    scale = 1.0 + 0.02 * jax.random.normal(k2, (HIDDEN,), dtype=jnp.float32)
    per_expert_scale = jax.random.uniform(k3, (NUM_EXPERTS,), dtype=jnp.float32, minval=0.5, maxval=1.5)
    W_proj = jax.random.normal(k4, (NUM_EXPERTS, HIDDEN), dtype=jnp.float32) * (HIDDEN ** -0.5)
    return {"x": x, "scale": scale, "per_expert_scale": per_expert_scale, "W_proj": W_proj}

def reference(x, scale, per_expert_scale, W_proj):
    # Unweighted RMSNorm in fp32
    xf = x.astype(jnp.float32)
    y = xf * jax.lax.rsqrt(jnp.mean(xf * xf, axis=-1, keepdims=True) + EPS)
    # Apply router scale vector and 1/sqrt(hidden_size)
    y = y * scale.astype(y.dtype)
    y = y * (HIDDEN ** -0.5)
    # Projection done in half precision, result accumulated/read back as fp32
    logits = jnp.matmul(y.astype(jnp.float16), W_proj.astype(jnp.float16).T).astype(jnp.float32)
    probs = jax.nn.softmax(logits, axis=-1)
    top_k_weights, top_k_index = jax.lax.top_k(probs, TOP_K)
    top_k_weights = top_k_weights / jnp.sum(top_k_weights, axis=-1, keepdims=True)
    top_k_weights = top_k_weights * jnp.take(per_expert_scale, top_k_index, axis=0).astype(top_k_weights.dtype)
    return top_k_index.astype(jnp.int64), top_k_weights

if __name__ == "__main__":
    import jax
    _d = setup_inputs()
    print(jax.jit(kernel)(*tuple(_d.values())))

</pallas_src>

<mosaic_0001>
#map = affine_map<(d0, d1) -> (0, 0)>
#map1 = affine_map<(d0, d1) -> (0)>
#map2 = affine_map<(d0, d1) -> (0, 0, 0)>
module attributes {stable_mosaic.version = 14 : i64} {
  func.func @_sc_router(%arg0: i32, %arg1: i32, %arg2: memref<8192x16xf32, #tpu.memory_space<hbm>>, %arg3: memref<16xf32, #tpu.memory_space<hbm>>, %arg4: memref<32x4x256xf32, #tpu.memory_space<hbm>>, %arg5: memref<256x16xf32, #tpu.memory_space<vmem>>, %arg6: memref<16xf32, #tpu.memory_space<vmem>>, %arg7: memref<4x256xf32, #tpu.memory_space<vmem>>, %arg8: memref<!tpu.dma_semaphore, #tpu.memory_space<semaphore_mem>>, %arg9: memref<!tpu.dma_semaphore, #tpu.memory_space<semaphore_mem>>) attributes {dimension_semantics = [#tpu.dimension_semantics<core_parallel>, #tpu.dimension_semantics<subcore_parallel>], iteration_bounds = array<i64: 2, 16>, scalar_prefetch = 0 : i64, scratch_operands = 5 : i64, tpu.core_type = #tpu.core_type<sc_vector_subcore>, window_params = [{transform_indices = #map}, {transform_indices = #map1}, {transform_indices = #map2}]} {
    %mul3A = arith.constant 2 : i32
    %mul3A_0 = arith.muli %arg1, %mul3A : i32
    %add3A = arith.addi %mul3A_0, %arg0 : i32
    %mul3A_1 = arith.constant 256 : i32
    %mul3A_2 = arith.muli %add3A, %mul3A_1 : i32
    %dma_start3A = arith.constant 0 : i32
    %dma_start3A_3 = tpu.memref_slice %arg2[%mul3A_2, %dma_start3A] : memref<8192x16xf32, #tpu.memory_space<hbm>> -> memref<256x16xf32, #tpu.memory_space<hbm>>
    %dma_start3A_4 = arith.constant 0 : i32
    %dma_start3A_5 = tpu.memref_slice %arg2[%mul3A_2, %dma_start3A_4] : memref<8192x16xf32, #tpu.memory_space<hbm>> -> memref<256x16xf32, #tpu.memory_space<hbm>>
    tpu.enqueue_dma source(%dma_start3A_5 : memref<256x16xf32, #tpu.memory_space<hbm>>) target(%arg5 : memref<256x16xf32, #tpu.memory_space<vmem>>) target_semaphore(%arg8 : memref<!tpu.dma_semaphore, #tpu.memory_space<semaphore_mem>>)
    tpu.enqueue_dma source(%arg3 : memref<16xf32, #tpu.memory_space<hbm>>) target(%arg6 : memref<16xf32, #tpu.memory_space<vmem>>) target_semaphore(%arg9 : memref<!tpu.dma_semaphore, #tpu.memory_space<semaphore_mem>>)
    %dma_wait3A = arith.constant 0 : i32
    %dma_wait3A_6 = tpu.memref_slice %arg2[%mul3A_2, %dma_wait3A] : memref<8192x16xf32, #tpu.memory_space<hbm>> -> memref<256x16xf32, #tpu.memory_space<hbm>>
    %dma_wait3A_7 = arith.constant 0 : i32
    %dma_wait3A_8 = tpu.memref_slice %arg2[%mul3A_2, %dma_wait3A_7] : memref<8192x16xf32, #tpu.memory_space<hbm>> -> memref<256x16xf32, #tpu.memory_space<hbm>>
    tpu.wait_dma2 semaphore(%arg8 : memref<!tpu.dma_semaphore, #tpu.memory_space<semaphore_mem>>) src(%dma_wait3A_8 : memref<256x16xf32, #tpu.memory_space<hbm>>) dst(%arg5 : memref<256x16xf32, #tpu.memory_space<vmem>>)
    tpu.wait_dma2 semaphore(%arg9 : memref<!tpu.dma_semaphore, #tpu.memory_space<semaphore_mem>>) src(%arg3 : memref<16xf32, #tpu.memory_space<hbm>>) dst(%arg6 : memref<16xf32, #tpu.memory_space<vmem>>)
    %iota3A = tpu.iota {dimensions = array<i32: 0>} : vector<16xi32>
    %parallel_loop3A = arith.constant 0 : i32
    %parallel_loop3A_9 = arith.constant 16 : i32
    %parallel_loop3A_10 = arith.constant 1 : i32
    scf.for %parallel_loop3A_11 = %parallel_loop3A to %parallel_loop3A_9 step %parallel_loop3A_10  : i32 {
      %parallel_loop3A_12 = arith.constant 16 : i32
      %parallel_loop3A_13 = arith.muli %parallel_loop3A_11, %parallel_loop3A_12 : i32
      %parallel_loop3A_14 = vector.broadcast %parallel_loop3A_13 : i32 to vector<16xi32>
      %parallel_loop3A_15 = arith.addi %parallel_loop3A_14, %iota3A : vector<16xi32>
      %parallel_loop3A_16 = arith.constant 0xFF800000 : f32
      %parallel_loop3A_17 = vector.broadcast %parallel_loop3A_16 : f32 to vector<16xf32>
      %parallel_loop3A_18 = arith.constant 0xFF800000 : f32
      %parallel_loop3A_19 = vector.broadcast %parallel_loop3A_18 : f32 to vector<16xf32>
      %parallel_loop3A_20 = arith.constant 0 : i32
      %parallel_loop3A_21 = vector.broadcast %parallel_loop3A_20 : i32 to vector<16xi32>
      %parallel_loop3A_22 = arith.constant 0 : i32
      %parallel_loop3A_23 = vector.broadcast %parallel_loop3A_22 : i32 to vector<16xi32>
      %parallel_loop3A_24 = arith.constant 0 : i32
      %parallel_loop3A_25 = vector.broadcast %parallel_loop3A_24 : i32 to vector<16xi32>
      %parallel_loop3A_26 = tpu.vector_load_idx %arg5[%parallel_loop3A_15, %parallel_loop3A_25] : memref<256x16xf32, #tpu.memory_space<vmem>>[vector<16xi32>, vector<16xi32>], vector<16xf32>,
      %parallel_loop3A_27 = arith.cmpf ogt, %parallel_loop3A_26, %parallel_loop3A_17 : vector<16xf32>
      %parallel_loop3A_28 = arith.constant dense<true> : vector<16xi1>
      %parallel_loop3A_29 = arith.xori %parallel_loop3A_27, %parallel_loop3A_28 : vector<16xi1>
      %parallel_loop3A_30 = arith.cmpf ogt, %parallel_loop3A_26, %parallel_loop3A_19 : vector<16xf32>
      %parallel_loop3A_31 = arith.andi %parallel_loop3A_29, %parallel_loop3A_30 : vector<16xi1>
      %parallel_loop3A_32 = arith.select %parallel_loop3A_31, %parallel_loop3A_26, %parallel_loop3A_19 : vector<16xi1>, vector<16xf32>
      %parallel_loop3A_33 = arith.select %parallel_loop3A_27, %parallel_loop3A_17, %parallel_loop3A_32 : vector<16xi1>, vector<16xf32>
      %parallel_loop3A_34 = arith.constant 0 : i32
      %parallel_loop3A_35 = vector.broadcast %parallel_loop3A_34 : i32 to vector<16xi32>
      %parallel_loop3A_36 = arith.select %parallel_loop3A_31, %parallel_loop3A_35, %parallel_loop3A_23 : vector<16xi1>, vector<16xi32>
      %parallel_loop3A_37 = arith.select %parallel_loop3A_27, %parallel_loop3A_21, %parallel_loop3A_36 : vector<16xi1>, vector<16xi32>
      %parallel_loop3A_38 = arith.select %parallel_loop3A_27, %parallel_loop3A_26, %parallel_loop3A_17 : vector<16xi1>, vector<16xf32>
      %parallel_loop3A_39 = arith.constant 0 : i32
      %parallel_loop3A_40 = vector.broadcast %parallel_loop3A_39 : i32 to vector<16xi32>
      %parallel_loop3A_41 = arith.select %parallel_loop3A_27, %parallel_loop3A_40, %parallel_loop3A_21 : vector<16xi1>, vector<16xi32>
      %parallel_loop3A_42 = arith.constant 1 : i32
      %parallel_loop3A_43 = vector.broadcast %parallel_loop3A_42 : i32 to vector<16xi32>
      %parallel_loop3A_44 = tpu.vector_load_idx %arg5[%parallel_loop3A_15, %parallel_loop3A_43] : memref<256x16xf32, #tpu.memory_space<vmem>>[vector<16xi32>, vector<16xi32>], vector<16xf32>,
      %parallel_loop3A_45 = arith.cmpf ogt, %parallel_loop3A_44, %parallel_loop3A_38 : vector<16xf32>
      %parallel_loop3A_46 = arith.constant dense<true> : vector<16xi1>
      %parallel_loop3A_47 = arith.xori %parallel_loop3A_45, %parallel_loop3A_46 : vector<16xi1>
      %parallel_loop3A_48 = arith.cmpf ogt, %parallel_loop3A_44, %parallel_loop3A_33 : vector<16xf32>
      %parallel_loop3A_49 = arith.andi %parallel_loop3A_47, %parallel_loop3A_48 : vector<16xi1>
      %parallel_loop3A_50 = arith.select %parallel_loop3A_49, %parallel_loop3A_44, %parallel_loop3A_33 : vector<16xi1>, vector<16xf32>
      %parallel_loop3A_51 = arith.select %parallel_loop3A_45, %parallel_loop3A_38, %parallel_loop3A_50 : vector<16xi1>, vector<16xf32>
      %parallel_loop3A_52 = arith.constant 1 : i32
      %parallel_loop3A_53 = vector.broadcast %parallel_loop3A_52 : i32 to vector<16xi32>
      %parallel_loop3A_54 = arith.select %parallel_loop3A_49, %parallel_loop3A_53, %parallel_loop3A_37 : vector<16xi1>, vector<16xi32>
      %parallel_loop3A_55 = arith.select %parallel_loop3A_45, %parallel_loop3A_41, %parallel_loop3A_54 : vector<16xi1>, vector<16xi32>
      %parallel_loop3A_56 = arith.select %parallel_loop3A_45, %parallel_loop3A_44, %parallel_loop3A_38 : vector<16xi1>, vector<16xf32>
      %parallel_loop3A_57 = arith.constant 1 : i32
      %parallel_loop3A_58 = vector.broadcast %parallel_loop3A_57 : i32 to vector<16xi32>
      %parallel_loop3A_59 = arith.select %parallel_loop3A_45, %parallel_loop3A_58, %parallel_loop3A_41 : vector<16xi1>, vector<16xi32>
      %parallel_loop3A_60 = arith.constant 2 : i32
      %parallel_loop3A_61 = vector.broadcast %parallel_loop3A_60 : i32 to vector<16xi32>
      %parallel_loop3A_62 = tpu.vector_load_idx %arg5[%parallel_loop3A_15, %parallel_loop3A_61] : memref<256x16xf32, #tpu.memory_space<vmem>>[vector<16xi32>, vector<16xi32>], vector<16xf32>,
      %parallel_loop3A_63 = arith.cmpf ogt, %parallel_loop3A_62, %parallel_loop3A_56 : vector<16xf32>
      %parallel_loop3A_64 = arith.constant dense<true> : vector<16xi1>
      %parallel_loop3A_65 = arith.xori %parallel_loop3A_63, %parallel_loop3A_64 : vector<16xi1>
      %parallel_loop3A_66 = arith.cmpf ogt, %parallel_loop3A_62, %parallel_loop3A_51 : vector<16xf32>
      %parallel_loop3A_67 = arith.andi %parallel_loop3A_65, %parallel_loop3A_66 : vector<16xi1>
      %parallel_loop3A_68 = arith.select %parallel_loop3A_67, %parallel_loop3A_62, %parallel_loop3A_51 : vector<16xi1>, vector<16xf32>
      %parallel_loop3A_69 = arith.select %parallel_loop3A_63, %parallel_loop3A_56, %parallel_loop3A_68 : vector<16xi1>, vector<16xf32>
      %parallel_loop3A_70 = arith.constant 2 : i32
      %parallel_loop3A_71 = vector.broadcast %parallel_loop3A_70 : i32 to vector<16xi32>
      %parallel_loop3A_72 = arith.select %parallel_loop3A_67, %parallel_loop3A_71, %parallel_loop3A_55 : vector<16xi1>, vector<16xi32>
      %parallel_loop3A_73 = arith.select %parallel_loop3A_63, %parallel_loop3A_59, %parallel_loop3A_72 : vector<16xi1>, vector<16xi32>
      %parallel_loop3A_74 = arith.select %parallel_loop3A_63, %parallel_loop3A_62, %parallel_loop3A_56 : vector<16xi1>, vector<16xf32>
      %parallel_loop3A_75 = arith.constant 2 : i32
      %parallel_loop3A_76 = vector.broadcast %parallel_loop3A_75 : i32 to vector<16xi32>
      %parallel_loop3A_77 = arith.select %parallel_loop3A_63, %parallel_loop3A_76, %parallel_loop3A_59 : vector<16xi1>, vector<16xi32>
      %parallel_loop3A_78 = arith.constant 3 : i32
      %parallel_loop3A_79 = vector.broadcast %parallel_loop3A_78 : i32 to vector<16xi32>
      %parallel_loop3A_80 = tpu.vector_load_idx %arg5[%parallel_loop3A_15, %parallel_loop3A_79] : memref<256x16xf32, #tpu.memory_space<vmem>>[vector<16xi32>, vector<16xi32>], vector<16xf32>,
      %parallel_loop3A_81 = arith.cmpf ogt, %parallel_loop3A_80, %parallel_loop3A_74 : vector<16xf32>
      %parallel_loop3A_82 = arith.constant dense<true> : vector<16xi1>
      %parallel_loop3A_83 = arith.xori %parallel_loop3A_81, %parallel_loop3A_82 : vector<16xi1>
      %parallel_loop3A_84 = arith.cmpf ogt, %parallel_loop3A_80, %parallel_loop3A_69 : vector<16xf32>
      %parallel_loop3A_85 = arith.andi %parallel_loop3A_83, %parallel_loop3A_84 : vector<16xi1>
      %parallel_loop3A_86 = arith.select %parallel_loop3A_85, %parallel_loop3A_80, %parallel_loop3A_69 : vector<16xi1>, vector<16xf32>
      %parallel_loop3A_87 = arith.select %parallel_loop3A_81, %parallel_loop3A_74, %parallel_loop3A_86 : vector<16xi1>, vector<16xf32>
      %parallel_loop3A_88 = arith.constant 3 : i32
      %parallel_loop3A_89 = vector.broadcast %parallel_loop3A_88 : i32 to vector<16xi32>
      %parallel_loop3A_90 = arith.select %parallel_loop3A_85, %parallel_loop3A_89, %parallel_loop3A_73 : vector<16xi1>, vector<16xi32>
      %parallel_loop3A_91 = arith.select %parallel_loop3A_81, %parallel_loop3A_77, %parallel_loop3A_90 : vector<16xi1>, vector<16xi32>
      %parallel_loop3A_92 = arith.select %parallel_loop3A_81, %parallel_loop3A_80, %parallel_loop3A_74 : vector<16xi1>, vector<16xf32>
      %parallel_loop3A_93 = arith.constant 3 : i32
      %parallel_loop3A_94 = vector.broadcast %parallel_loop3A_93 : i32 to vector<16xi32>
      %parallel_loop3A_95 = arith.select %parallel_loop3A_81, %parallel_loop3A_94, %parallel_loop3A_77 : vector<16xi1>, vector<16xi32>
      %parallel_loop3A_96 = arith.constant 4 : i32
      %parallel_loop3A_97 = vector.broadcast %parallel_loop3A_96 : i32 to vector<16xi32>
      %parallel_loop3A_98 = tpu.vector_load_idx %arg5[%parallel_loop3A_15, %parallel_loop3A_97] : memref<256x16xf32, #tpu.memory_space<vmem>>[vector<16xi32>, vector<16xi32>], vector<16xf32>,
      %parallel_loop3A_99 = arith.cmpf ogt, %parallel_loop3A_98, %parallel_loop3A_92 : vector<16xf32>
      %parallel_loop3A_100 = arith.constant dense<true> : vector<16xi1>
      %parallel_loop3A_101 = arith.xori %parallel_loop3A_99, %parallel_loop3A_100 : vector<16xi1>
      %parallel_loop3A_102 = arith.cmpf ogt, %parallel_loop3A_98, %parallel_loop3A_87 : vector<16xf32>
      %parallel_loop3A_103 = arith.andi %parallel_loop3A_101, %parallel_loop3A_102 : vector<16xi1>
      %parallel_loop3A_104 = arith.select %parallel_loop3A_103, %parallel_loop3A_98, %parallel_loop3A_87 : vector<16xi1>, vector<16xf32>
      %parallel_loop3A_105 = arith.select %parallel_loop3A_99, %parallel_loop3A_92, %parallel_loop3A_104 : vector<16xi1>, vector<16xf32>
      %parallel_loop3A_106 = arith.constant 4 : i32
      %parallel_loop3A_107 = vector.broadcast %parallel_loop3A_106 : i32 to vector<16xi32>
      %parallel_loop3A_108 = arith.select %parallel_loop3A_103, %parallel_loop3A_107, %parallel_loop3A_91 : vector<16xi1>, vector<16xi32>
      %parallel_loop3A_109 = arith.select %parallel_loop3A_99, %parallel_loop3A_95, %parallel_loop3A_108 : vector<16xi1>, vector<16xi32>
      %parallel_loop3A_110 = arith.select %parallel_loop3A_99, %parallel_loop3A_98, %parallel_loop3A_92 : vector<16xi1>, vector<16xf32>
      %parallel_loop3A_111 = arith.constant 4 : i32
      %parallel_loop3A_112 = vector.broadcast %parallel_loop3A_111 : i32 to vector<16xi32>
      %parallel_loop3A_113 = arith.select %parallel_loop3A_99, %parallel_loop3A_112, %parallel_loop3A_95 : vector<16xi1>, vector<16xi32>
      %parallel_loop3A_114 = arith.constant 5 : i32
      %parallel_loop3A_115 = vector.broadcast %parallel_loop3A_114 : i32 to vector<16xi32>
      %parallel_loop3A_116 = tpu.vector_load_idx %arg5[%parallel_loop3A_15, %parallel_loop3A_115] : memref<256x16xf32, #tpu.memory_space<vmem>>[vector<16xi32>, vector<16xi32>], vector<16xf32>,
      %parallel_loop3A_117 = arith.cmpf ogt, %parallel_loop3A_116, %parallel_loop3A_110 : vector<16xf32>
      %parallel_loop3A_118 = arith.constant dense<true> : vector<16xi1>
      %parallel_loop3A_119 = arith.xori %parallel_loop3A_117, %parallel_loop3A_118 : vector<16xi1>
      %parallel_loop3A_120 = arith.cmpf ogt, %parallel_loop3A_116, %parallel_loop3A_105 : vector<16xf32>
      %parallel_loop3A_121 = arith.andi %parallel_loop3A_119, %parallel_loop3A_120 : vector<16xi1>
      %parallel_loop3A_122 = arith.select %parallel_loop3A_121, %parallel_loop3A_116, %parallel_loop3A_105 : vector<16xi1>, vector<16xf32>
      %parallel_loop3A_123 = arith.select %parallel_loop3A_117, %parallel_loop3A_110, %parallel_loop3A_122 : vector<16xi1>, vector<16xf32>
      %parallel_loop3A_124 = arith.constant 5 : i32
      %parallel_loop3A_125 = vector.broadcast %parallel_loop3A_124 : i32 to vector<16xi32>
      %parallel_loop3A_126 = arith.select %parallel_loop3A_121, %parallel_loop3A_125, %parallel_loop3A_109 : vector<16xi1>, vector<16xi32>
      %parallel_loop3A_127 = arith.select %parallel_loop3A_117, %parallel_loop3A_113, %parallel_loop3A_126 : vector<16xi1>, vector<16xi32>
      %parallel_loop3A_128 = arith.select %parallel_loop3A_117, %parallel_loop3A_116, %parallel_loop3A_110 : vector<16xi1>, vector<16xf32>
      %parallel_loop3A_129 = arith.constant 5 : i32
      %parallel_loop3A_130 = vector.broadcast %parallel_loop3A_129 : i32 to vector<16xi32>
      %parallel_loop3A_131 = arith.select %parallel_loop3A_117, %parallel_loop3A_130, %parallel_loop3A_113 : vector<16xi1>, vector<16xi32>
      %parallel_loop3A_132 = arith.constant 6 : i32
      %parallel_loop3A_133 = vector.broadcast %parallel_loop3A_132 : i32 to vector<16xi32>
      %parallel_loop3A_134 = tpu.vector_load_idx %arg5[%parallel_loop3A_15, %parallel_loop3A_133] : memref<256x16xf32, #tpu.memory_space<vmem>>[vector<16xi32>, vector<16xi32>], vector<16xf32>,
      %parallel_loop3A_135 = arith.cmpf ogt, %parallel_loop3A_134, %parallel_loop3A_128 : vector<16xf32>
      %parallel_loop3A_136 = arith.constant dense<true> : vector<16xi1>
      %parallel_loop3A_137 = arith.xori %parallel_loop3A_135, %parallel_loop3A_136 : vector<16xi1>
      %parallel_loop3A_138 = arith.cmpf ogt, %parallel_loop3A_134, %parallel_loop3A_123 : vector<16xf32>
      %parallel_loop3A_139 = arith.andi %parallel_loop3A_137, %parallel_loop3A_138 : vector<16xi1>
      %parallel_loop3A_140 = arith.select %parallel_loop3A_139, %parallel_loop3A_134, %parallel_loop3A_123 : vector<16xi1>, vector<16xf32>
      %parallel_loop3A_141 = arith.select %parallel_loop3A_135, %parallel_loop3A_128, %parallel_loop3A_140 : vector<16xi1>, vector<16xf32>
      %parallel_loop3A_142 = arith.constant 6 : i32
      %parallel_loop3A_143 = vector.broadcast %parallel_loop3A_142 : i32 to vector<16xi32>
      %parallel_loop3A_144 = arith.select %parallel_loop3A_139, %parallel_loop3A_143, %parallel_loop3A_127 : vector<16xi1>, vector<16xi32>
      %parallel_loop3A_145 = arith.select %parallel_loop3A_135, %parallel_loop3A_131, %parallel_loop3A_144 : vector<16xi1>, vector<16xi32>
      %parallel_loop3A_146 = arith.select %parallel_loop3A_135, %parallel_loop3A_134, %parallel_loop3A_128 : vector<16xi1>, vector<16xf32>
      %parallel_loop3A_147 = arith.constant 6 : i32
      %parallel_loop3A_148 = vector.broadcast %parallel_loop3A_147 : i32 to vector<16xi32>
      %parallel_loop3A_149 = arith.select %parallel_loop3A_135, %parallel_loop3A_148, %parallel_loop3A_131 : vector<16xi1>, vector<16xi32>
      %parallel_loop3A_150 = arith.constant 7 : i32
      %parallel_loop3A_151 = vector.broadcast %parallel_loop3A_150 : i32 to vector<16xi32>
      %parallel_loop3A_152 = tpu.vector_load_idx %arg5[%parallel_loop3A_15, %parallel_loop3A_151] : memref<256x16xf32, #tpu.memory_space<vmem>>[vector<16xi32>, vector<16xi32>], vector<16xf32>,
      %parallel_loop3A_153 = arith.cmpf ogt, %parallel_loop3A_152, %parallel_loop3A_146 : vector<16xf32>
      %parallel_loop3A_154 = arith.constant dense<true> : vector<16xi1>
      %parallel_loop3A_155 = arith.xori %parallel_loop3A_153, %parallel_loop3A_154 : vector<16xi1>
      %parallel_loop3A_156 = arith.cmpf ogt, %parallel_loop3A_152, %parallel_loop3A_141 : vector<16xf32>
      %parallel_loop3A_157 = arith.andi %parallel_loop3A_155, %parallel_loop3A_156 : vector<16xi1>
      %parallel_loop3A_158 = arith.select %parallel_loop3A_157, %parallel_loop3A_152, %parallel_loop3A_141 : vector<16xi1>, vector<16xf32>
      %parallel_loop3A_159 = arith.select %parallel_loop3A_153, %parallel_loop3A_146, %parallel_loop3A_158 : vector<16xi1>, vector<16xf32>
      %parallel_loop3A_160 = arith.constant 7 : i32
      %parallel_loop3A_161 = vector.broadcast %parallel_loop3A_160 : i32 to vector<16xi32>
      %parallel_loop3A_162 = arith.select %parallel_loop3A_157, %parallel_loop3A_161, %parallel_loop3A_145 : vector<16xi1>, vector<16xi32>
      %parallel_loop3A_163 = arith.select %parallel_loop3A_153, %parallel_loop3A_149, %parallel_loop3A_162 : vector<16xi1>, vector<16xi32>
      %parallel_loop3A_164 = arith.select %parallel_loop3A_153, %parallel_loop3A_152, %parallel_loop3A_146 : vector<16xi1>, vector<16xf32>
      %parallel_loop3A_165 = arith.constant 7 : i32
      %parallel_loop3A_166 = vector.broadcast %parallel_loop3A_165 : i32 to vector<16xi32>
      %parallel_loop3A_167 = arith.select %parallel_loop3A_153, %parallel_loop3A_166, %parallel_loop3A_149 : vector<16xi1>, vector<16xi32>
      %parallel_loop3A_168 = arith.constant 8 : i32
      %parallel_loop3A_169 = vector.broadcast %parallel_loop3A_168 : i32 to vector<16xi32>
      %parallel_loop3A_170 = tpu.vector_load_idx %arg5[%parallel_loop3A_15, %parallel_loop3A_169] : memref<256x16xf32, #tpu.memory_space<vmem>>[vector<16xi32>, vector<16xi32>], vector<16xf32>,
      %parallel_loop3A_171 = arith.cmpf ogt, %parallel_loop3A_170, %parallel_loop3A_164 : vector<16xf32>
      %parallel_loop3A_172 = arith.constant dense<true> : vector<16xi1>
      %parallel_loop3A_173 = arith.xori %parallel_loop3A_171, %parallel_loop3A_172 : vector<16xi1>
      %parallel_loop3A_174 = arith.cmpf ogt, %parallel_loop3A_170, %parallel_loop3A_159 : vector<16xf32>
      %parallel_loop3A_175 = arith.andi %parallel_loop3A_173, %parallel_loop3A_174 : vector<16xi1>
      %parallel_loop3A_176 = arith.select %parallel_loop3A_175, %parallel_loop3A_170, %parallel_loop3A_159 : vector<16xi1>, vector<16xf32>
      %parallel_loop3A_177 = arith.select %parallel_loop3A_171, %parallel_loop3A_164, %parallel_loop3A_176 : vector<16xi1>, vector<16xf32>
      %parallel_loop3A_178 = arith.constant 8 : i32
      %parallel_loop3A_179 = vector.broadcast %parallel_loop3A_178 : i32 to vector<16xi32>
      %parallel_loop3A_180 = arith.select %parallel_loop3A_175, %parallel_loop3A_179, %parallel_loop3A_163 : vector<16xi1>, vector<16xi32>
      %parallel_loop3A_181 = arith.select %parallel_loop3A_171, %parallel_loop3A_167, %parallel_loop3A_180 : vector<16xi1>, vector<16xi32>
      %parallel_loop3A_182 = arith.select %parallel_loop3A_171, %parallel_loop3A_170, %parallel_loop3A_164 : vector<16xi1>, vector<16xf32>
      %parallel_loop3A_183 = arith.constant 8 : i32
      %parallel_loop3A_184 = vector.broadcast %parallel_loop3A_183 : i32 to vector<16xi32>
      %parallel_loop3A_185 = arith.select %parallel_loop3A_171, %parallel_loop3A_184, %parallel_loop3A_167 : vector<16xi1>, vector<16xi32>
      %parallel_loop3A_186 = arith.constant 9 : i32
      %parallel_loop3A_187 = vector.broadcast %parallel_loop3A_186 : i32 to vector<16xi32>
      %parallel_loop3A_188 = tpu.vector_load_idx %arg5[%parallel_loop3A_15, %parallel_loop3A_187] : memref<256x16xf32, #tpu.memory_space<vmem>>[vector<16xi32>, vector<16xi32>], vector<16xf32>,
      %parallel_loop3A_189 = arith.cmpf ogt, %parallel_loop3A_188, %parallel_loop3A_182 : vector<16xf32>
      %parallel_loop3A_190 = arith.constant dense<true> : vector<16xi1>
      %parallel_loop3A_191 = arith.xori %parallel_loop3A_189, %parallel_loop3A_190 : vector<16xi1>
      %parallel_loop3A_192 = arith.cmpf ogt, %parallel_loop3A_188, %parallel_loop3A_177 : vector<16xf32>
      %parallel_loop3A_193 = arith.andi %parallel_loop3A_191, %parallel_loop3A_192 : vector<16xi1>
      %parallel_loop3A_194 = arith.select %parallel_loop3A_193, %parallel_loop3A_188, %parallel_loop3A_177 : vector<16xi1>, vector<16xf32>
      %parallel_loop3A_195 = arith.select %parallel_loop3A_189, %parallel_loop3A_182, %parallel_loop3A_194 : vector<16xi1>, vector<16xf32>
      %parallel_loop3A_196 = arith.constant 9 : i32
      %parallel_loop3A_197 = vector.broadcast %parallel_loop3A_196 : i32 to vector<16xi32>
      %parallel_loop3A_198 = arith.select %parallel_loop3A_193, %parallel_loop3A_197, %parallel_loop3A_181 : vector<16xi1>, vector<16xi32>
      %parallel_loop3A_199 = arith.select %parallel_loop3A_189, %parallel_loop3A_185, %parallel_loop3A_198 : vector<16xi1>, vector<16xi32>
      %parallel_loop3A_200 = arith.select %parallel_loop3A_189, %parallel_loop3A_188, %parallel_loop3A_182 : vector<16xi1>, vector<16xf32>
      %parallel_loop3A_201 = arith.constant 9 : i32
      %parallel_loop3A_202 = vector.broadcast %parallel_loop3A_201 : i32 to vector<16xi32>
      %parallel_loop3A_203 = arith.select %parallel_loop3A_189, %parallel_loop3A_202, %parallel_loop3A_185 : vector<16xi1>, vector<16xi32>
      %parallel_loop3A_204 = arith.constant 10 : i32
      %parallel_loop3A_205 = vector.broadcast %parallel_loop3A_204 : i32 to vector<16xi32>
      %parallel_loop3A_206 = tpu.vector_load_idx %arg5[%parallel_loop3A_15, %parallel_loop3A_205] : memref<256x16xf32, #tpu.memory_space<vmem>>[vector<16xi32>, vector<16xi32>], vector<16xf32>,
      %parallel_loop3A_207 = arith.cmpf ogt, %parallel_loop3A_206, %parallel_loop3A_200 : vector<16xf32>
      %parallel_loop3A_208 = arith.constant dense<true> : vector<16xi1>
      %parallel_loop3A_209 = arith.xori %parallel_loop3A_207, %parallel_loop3A_208 : vector<16xi1>
      %parallel_loop3A_210 = arith.cmpf ogt, %parallel_loop3A_206, %parallel_loop3A_195 : vector<16xf32>
      %parallel_loop3A_211 = arith.andi %parallel_loop3A_209, %parallel_loop3A_210 : vector<16xi1>
      %parallel_loop3A_212 = arith.select %parallel_loop3A_211, %parallel_loop3A_206, %parallel_loop3A_195 : vector<16xi1>, vector<16xf32>
      %parallel_loop3A_213 = arith.select %parallel_loop3A_207, %parallel_loop3A_200, %parallel_loop3A_212 : vector<16xi1>, vector<16xf32>
      %parallel_loop3A_214 = arith.constant 10 : i32
      %parallel_loop3A_215 = vector.broadcast %parallel_loop3A_214 : i32 to vector<16xi32>
      %parallel_loop3A_216 = arith.select %parallel_loop3A_211, %parallel_loop3A_215, %parallel_loop3A_199 : vector<16xi1>, vector<16xi32>
      %parallel_loop3A_217 = arith.select %parallel_loop3A_207, %parallel_loop3A_203, %parallel_loop3A_216 : vector<16xi1>, vector<16xi32>
      %parallel_loop3A_218 = arith.select %parallel_loop3A_207, %parallel_loop3A_206, %parallel_loop3A_200 : vector<16xi1>, vector<16xf32>
      %parallel_loop3A_219 = arith.constant 10 : i32
      %parallel_loop3A_220 = vector.broadcast %parallel_loop3A_219 : i32 to vector<16xi32>
      %parallel_loop3A_221 = arith.select %parallel_loop3A_207, %parallel_loop3A_220, %parallel_loop3A_203 : vector<16xi1>, vector<16xi32>
      %parallel_loop3A_222 = arith.constant 11 : i32
      %parallel_loop3A_223 = vector.broadcast %parallel_loop3A_222 : i32 to vector<16xi32>
      %parallel_loop3A_224 = tpu.vector_load_idx %arg5[%parallel_loop3A_15, %parallel_loop3A_223] : memref<256x16xf32, #tpu.memory_space<vmem>>[vector<16xi32>, vector<16xi32>], vector<16xf32>,
      %parallel_loop3A_225 = arith.cmpf ogt, %parallel_loop3A_224, %parallel_loop3A_218 : vector<16xf32>
      %parallel_loop3A_226 = arith.constant dense<true> : vector<16xi1>
      %parallel_loop3A_227 = arith.xori %parallel_loop3A_225, %parallel_loop3A_226 : vector<16xi1>
      %parallel_loop3A_228 = arith.cmpf ogt, %parallel_loop3A_224, %parallel_loop3A_213 : vector<16xf32>
      %parallel_loop3A_229 = arith.andi %parallel_loop3A_227, %parallel_loop3A_228 : vector<16xi1>
      %parallel_loop3A_230 = arith.select %parallel_loop3A_229, %parallel_loop3A_224, %parallel_loop3A_213 : vector<16xi1>, vector<16xf32>
      %parallel_loop3A_231 = arith.select %parallel_loop3A_225, %parallel_loop3A_218, %parallel_loop3A_230 : vector<16xi1>, vector<16xf32>
      %parallel_loop3A_232 = arith.constant 11 : i32
      %parallel_loop3A_233 = vector.broadcast %parallel_loop3A_232 : i32 to vector<16xi32>
      %parallel_loop3A_234 = arith.select %parallel_loop3A_229, %parallel_loop3A_233, %parallel_loop3A_217 : vector<16xi1>, vector<16xi32>
      %parallel_loop3A_235 = arith.select %parallel_loop3A_225, %parallel_loop3A_221, %parallel_loop3A_234 : vector<16xi1>, vector<16xi32>
      %parallel_loop3A_236 = arith.select %parallel_loop3A_225, %parallel_loop3A_224, %parallel_loop3A_218 : vector<16xi1>, vector<16xf32>
      %parallel_loop3A_237 = arith.constant 11 : i32
      %parallel_loop3A_238 = vector.broadcast %parallel_loop3A_237 : i32 to vector<16xi32>
      %parallel_loop3A_239 = arith.select %parallel_loop3A_225, %parallel_loop3A_238, %parallel_loop3A_221 : vector<16xi1>, vector<16xi32>
      %parallel_loop3A_240 = arith.constant 12 : i32
      %parallel_loop3A_241 = vector.broadcast %parallel_loop3A_240 : i32 to vector<16xi32>
      %parallel_loop3A_242 = tpu.vector_load_idx %arg5[%parallel_loop3A_15, %parallel_loop3A_241] : memref<256x16xf32, #tpu.memory_space<vmem>>[vector<16xi32>, vector<16xi32>], vector<16xf32>,
      %parallel_loop3A_243 = arith.cmpf ogt, %parallel_loop3A_242, %parallel_loop3A_236 : vector<16xf32>
      %parallel_loop3A_244 = arith.constant dense<true> : vector<16xi1>
      %parallel_loop3A_245 = arith.xori %parallel_loop3A_243, %parallel_loop3A_244 : vector<16xi1>
      %parallel_loop3A_246 = arith.cmpf ogt, %parallel_loop3A_242, %parallel_loop3A_231 : vector<16xf32>
      %parallel_loop3A_247 = arith.andi %parallel_loop3A_245, %parallel_loop3A_246 : vector<16xi1>
      %parallel_loop3A_248 = arith.select %parallel_loop3A_247, %parallel_loop3A_242, %parallel_loop3A_231 : vector<16xi1>, vector<16xf32>
      %parallel_loop3A_249 = arith.select %parallel_loop3A_243, %parallel_loop3A_236, %parallel_loop3A_248 : vector<16xi1>, vector<16xf32>
      %parallel_loop3A_250 = arith.constant 12 : i32
      %parallel_loop3A_251 = vector.broadcast %parallel_loop3A_250 : i32 to vector<16xi32>
      %parallel_loop3A_252 = arith.select %parallel_loop3A_247, %parallel_loop3A_251, %parallel_loop3A_235 : vector<16xi1>, vector<16xi32>
      %parallel_loop3A_253 = arith.select %parallel_loop3A_243, %parallel_loop3A_239, %parallel_loop3A_252 : vector<16xi1>, vector<16xi32>
      %parallel_loop3A_254 = arith.select %parallel_loop3A_243, %parallel_loop3A_242, %parallel_loop3A_236 : vector<16xi1>, vector<16xf32>
      %parallel_loop3A_255 = arith.constant 12 : i32
      %parallel_loop3A_256 = vector.broadcast %parallel_loop3A_255 : i32 to vector<16xi32>
      %parallel_loop3A_257 = arith.select %parallel_loop3A_243, %parallel_loop3A_256, %parallel_loop3A_239 : vector<16xi1>, vector<16xi32>
      %parallel_loop3A_258 = arith.constant 13 : i32
      %parallel_loop3A_259 = vector.broadcast %parallel_loop3A_258 : i32 to vector<16xi32>
      %parallel_loop3A_260 = tpu.vector_load_idx %arg5[%parallel_loop3A_15, %parallel_loop3A_259] : memref<256x16xf32, #tpu.memory_space<vmem>>[vector<16xi32>, vector<16xi32>], vector<16xf32>,
      %parallel_loop3A_261 = arith.cmpf ogt, %parallel_loop3A_260, %parallel_loop3A_254 : vector<16xf32>
      %parallel_loop3A_262 = arith.constant dense<true> : vector<16xi1>
      %parallel_loop3A_263 = arith.xori %parallel_loop3A_261, %parallel_loop3A_262 : vector<16xi1>
      %parallel_loop3A_264 = arith.cmpf ogt, %parallel_loop3A_260, %parallel_loop3A_249 : vector<16xf32>
      %parallel_loop3A_265 = arith.andi %parallel_loop3A_263, %parallel_loop3A_264 : vector<16xi1>
      %parallel_loop3A_266 = arith.select %parallel_loop3A_265, %parallel_loop3A_260, %parallel_loop3A_249 : vector<16xi1>, vector<16xf32>
      %parallel_loop3A_267 = arith.select %parallel_loop3A_261, %parallel_loop3A_254, %parallel_loop3A_266 : vector<16xi1>, vector<16xf32>
      %parallel_loop3A_268 = arith.constant 13 : i32
      %parallel_loop3A_269 = vector.broadcast %parallel_loop3A_268 : i32 to vector<16xi32>
      %parallel_loop3A_270 = arith.select %parallel_loop3A_265, %parallel_loop3A_269, %parallel_loop3A_253 : vector<16xi1>, vector<16xi32>
      %parallel_loop3A_271 = arith.select %parallel_loop3A_261, %parallel_loop3A_257, %parallel_loop3A_270 : vector<16xi1>, vector<16xi32>
      %parallel_loop3A_272 = arith.select %parallel_loop3A_261, %parallel_loop3A_260, %parallel_loop3A_254 : vector<16xi1>, vector<16xf32>
      %parallel_loop3A_273 = arith.constant 13 : i32
      %parallel_loop3A_274 = vector.broadcast %parallel_loop3A_273 : i32 to vector<16xi32>
      %parallel_loop3A_275 = arith.select %parallel_loop3A_261, %parallel_loop3A_274, %parallel_loop3A_257 : vector<16xi1>, vector<16xi32>
      %parallel_loop3A_276 = arith.constant 14 : i32
      %parallel_loop3A_277 = vector.broadcast %parallel_loop3A_276 : i32 to vector<16xi32>
      %parallel_loop3A_278 = tpu.vector_load_idx %arg5[%parallel_loop3A_15, %parallel_loop3A_277] : memref<256x16xf32, #tpu.memory_space<vmem>>[vector<16xi32>, vector<16xi32>], vector<16xf32>,
      %parallel_loop3A_279 = arith.cmpf ogt, %parallel_loop3A_278, %parallel_loop3A_272 : vector<16xf32>
      %parallel_loop3A_280 = arith.constant dense<true> : vector<16xi1>
      %parallel_loop3A_281 = arith.xori %parallel_loop3A_279, %parallel_loop3A_280 : vector<16xi1>
      %parallel_loop3A_282 = arith.cmpf ogt, %parallel_loop3A_278, %parallel_loop3A_267 : vector<16xf32>
      %parallel_loop3A_283 = arith.andi %parallel_loop3A_281, %parallel_loop3A_282 : vector<16xi1>
      %parallel_loop3A_284 = arith.select %parallel_loop3A_283, %parallel_loop3A_278, %parallel_loop3A_267 : vector<16xi1>, vector<16xf32>
      %parallel_loop3A_285 = arith.select %parallel_loop3A_279, %parallel_loop3A_272, %parallel_loop3A_284 : vector<16xi1>, vector<16xf32>
      %parallel_loop3A_286 = arith.constant 14 : i32
      %parallel_loop3A_287 = vector.broadcast %parallel_loop3A_286 : i32 to vector<16xi32>
      %parallel_loop3A_288 = arith.select %parallel_loop3A_283, %parallel_loop3A_287, %parallel_loop3A_271 : vector<16xi1>, vector<16xi32>
      %parallel_loop3A_289 = arith.select %parallel_loop3A_279, %parallel_loop3A_275, %parallel_loop3A_288 : vector<16xi1>, vector<16xi32>
      %parallel_loop3A_290 = arith.select %parallel_loop3A_279, %parallel_loop3A_278, %parallel_loop3A_272 : vector<16xi1>, vector<16xf32>
      %parallel_loop3A_291 = arith.constant 14 : i32
      %parallel_loop3A_292 = vector.broadcast %parallel_loop3A_291 : i32 to vector<16xi32>
      %parallel_loop3A_293 = arith.select %parallel_loop3A_279, %parallel_loop3A_292, %parallel_loop3A_275 : vector<16xi1>, vector<16xi32>
      %parallel_loop3A_294 = arith.constant 15 : i32
      %parallel_loop3A_295 = vector.broadcast %parallel_loop3A_294 : i32 to vector<16xi32>
      %parallel_loop3A_296 = tpu.vector_load_idx %arg5[%parallel_loop3A_15, %parallel_loop3A_295] : memref<256x16xf32, #tpu.memory_space<vmem>>[vector<16xi32>, vector<16xi32>], vector<16xf32>,
      %parallel_loop3A_297 = arith.cmpf ogt, %parallel_loop3A_296, %parallel_loop3A_290 : vector<16xf32>
      %parallel_loop3A_298 = arith.constant dense<true> : vector<16xi1>
      %parallel_loop3A_299 = arith.xori %parallel_loop3A_297, %parallel_loop3A_298 : vector<16xi1>
      %parallel_loop3A_300 = arith.cmpf ogt, %parallel_loop3A_296, %parallel_loop3A_285 : vector<16xf32>
      %parallel_loop3A_301 = arith.andi %parallel_loop3A_299, %parallel_loop3A_300 : vector<16xi1>
      %parallel_loop3A_302 = arith.select %parallel_loop3A_301, %parallel_loop3A_296, %parallel_loop3A_285 : vector<16xi1>, vector<16xf32>
      %parallel_loop3A_303 = arith.select %parallel_loop3A_297, %parallel_loop3A_290, %parallel_loop3A_302 : vector<16xi1>, vector<16xf32>
      %parallel_loop3A_304 = arith.constant 15 : i32
      %parallel_loop3A_305 = vector.broadcast %parallel_loop3A_304 : i32 to vector<16xi32>
      %parallel_loop3A_306 = arith.select %parallel_loop3A_301, %parallel_loop3A_305, %parallel_loop3A_289 : vector<16xi1>, vector<16xi32>
      %parallel_loop3A_307 = arith.select %parallel_loop3A_297, %parallel_loop3A_293, %parallel_loop3A_306 : vector<16xi1>, vector<16xi32>
      %parallel_loop3A_308 = arith.select %parallel_loop3A_297, %parallel_loop3A_296, %parallel_loop3A_290 : vector<16xi1>, vector<16xf32>
      %parallel_loop3A_309 = arith.constant 15 : i32
      %parallel_loop3A_310 = vector.broadcast %parallel_loop3A_309 : i32 to vector<16xi32>
      %parallel_loop3A_311 = arith.select %parallel_loop3A_297, %parallel_loop3A_310, %parallel_loop3A_293 : vector<16xi1>, vector<16xi32>
      %parallel_loop3A_312 = tpu.vector_load_idx %arg6[%parallel_loop3A_311] : memref<16xf32, #tpu.memory_space<vmem>>[vector<16xi32>], vector<16xf32>,
      %parallel_loop3A_313 = tpu.vector_load_idx %arg6[%parallel_loop3A_307] : memref<16xf32, #tpu.memory_space<vmem>>[vector<16xi32>], vector<16xf32>,
      %parallel_loop3A_314 = arith.addf %parallel_loop3A_308, %parallel_loop3A_303 : vector<16xf32>
      %parallel_loop3A_315 = arith.constant 16 : i32
      %parallel_loop3A_316 = arith.muli %parallel_loop3A_11, %parallel_loop3A_315 : i32
      %parallel_loop3A_317 = vector.bitcast %parallel_loop3A_311 : vector<16xi32> to vector<16xf32>
      %parallel_loop3A_318 = arith.constant 0 : i32
      %parallel_loop3A_319 = arith.index_cast %parallel_loop3A_318 : i32 to index
      %parallel_loop3A_320 = arith.index_cast %parallel_loop3A_316 : i32 to index
      %parallel_loop3A_321 = tpu.vector_load %arg7[%parallel_loop3A_319, %parallel_loop3A_320] {strides = array<i32>} : memref<4x256xf32, #tpu.memory_space<vmem>>, vector<16xf32>,
      tpu.vector_store %arg7[%parallel_loop3A_319, %parallel_loop3A_320], %parallel_loop3A_317 {strides = array<i32>} : memref<4x256xf32, #tpu.memory_space<vmem>>, vector<16xf32>,
      %parallel_loop3A_322 = vector.bitcast %parallel_loop3A_307 : vector<16xi32> to vector<16xf32>
      %parallel_loop3A_323 = arith.constant 1 : i32
      %parallel_loop3A_324 = arith.index_cast %parallel_loop3A_323 : i32 to index
      %parallel_loop3A_325 = arith.index_cast %parallel_loop3A_316 : i32 to index
      %parallel_loop3A_326 = tpu.vector_load %arg7[%parallel_loop3A_324, %parallel_loop3A_325] {strides = array<i32>} : memref<4x256xf32, #tpu.memory_space<vmem>>, vector<16xf32>,
      tpu.vector_store %arg7[%parallel_loop3A_324, %parallel_loop3A_325], %parallel_loop3A_322 {strides = array<i32>} : memref<4x256xf32, #tpu.memory_space<vmem>>, vector<16xf32>,
      %parallel_loop3A_327 = arith.divf %parallel_loop3A_308, %parallel_loop3A_314 : vector<16xf32>
      %parallel_loop3A_328 = arith.mulf %parallel_loop3A_327, %parallel_loop3A_312 : vector<16xf32>
      %parallel_loop3A_329 = arith.constant 2 : i32
      %parallel_loop3A_330 = arith.index_cast %parallel_loop3A_329 : i32 to index
      %parallel_loop3A_331 = arith.index_cast %parallel_loop3A_316 : i32 to index
      %parallel_loop3A_332 = tpu.vector_load %arg7[%parallel_loop3A_330, %parallel_loop3A_331] {strides = array<i32>} : memref<4x256xf32, #tpu.memory_space<vmem>>, vector<16xf32>,
      tpu.vector_store %arg7[%parallel_loop3A_330, %parallel_loop3A_331], %parallel_loop3A_328 {strides = array<i32>} : memref<4x256xf32, #tpu.memory_space<vmem>>, vector<16xf32>,
      %parallel_loop3A_333 = arith.divf %parallel_loop3A_303, %parallel_loop3A_314 : vector<16xf32>
      %parallel_loop3A_334 = arith.mulf %parallel_loop3A_333, %parallel_loop3A_313 : vector<16xf32>
      %parallel_loop3A_335 = arith.constant 3 : i32
      %parallel_loop3A_336 = arith.index_cast %parallel_loop3A_335 : i32 to index
      %parallel_loop3A_337 = arith.index_cast %parallel_loop3A_316 : i32 to index
      %parallel_loop3A_338 = tpu.vector_load %arg7[%parallel_loop3A_336, %parallel_loop3A_337] {strides = array<i32>} : memref<4x256xf32, #tpu.memory_space<vmem>>, vector<16xf32>,
      tpu.vector_store %arg7[%parallel_loop3A_336, %parallel_loop3A_337], %parallel_loop3A_334 {strides = array<i32>} : memref<4x256xf32, #tpu.memory_space<vmem>>, vector<16xf32>,
    } {sc.loop_unroll_factor = 2 : i64, sc.parallel_access}
    "tpu.region"() ({
      %run_scoped3A = tpu.sem_alloc : memref<!tpu.dma_semaphore, #tpu.memory_space<semaphore_mem>>
      %dma_start3A_11 = arith.constant 0 : i32
      %dma_start3A_12 = arith.constant 0 : i32
      %dma_start3A_13 = tpu.memref_slice %arg4[%add3A, %dma_start3A_11, %dma_start3A_12] : memref<32x4x256xf32, #tpu.memory_space<hbm>> -> memref<1x4x256xf32, #tpu.memory_space<hbm>>
      %dma_start3A_14 = tpu.memref_squeeze %dma_start3A_13 : memref<1x4x256xf32, #tpu.memory_space<hbm>> -> memref<4x256xf32, #tpu.memory_space<hbm>>
      %dma_start3A_15 = arith.constant 0 : i32
      %dma_start3A_16 = arith.constant 0 : i32
      %dma_start3A_17 = tpu.memref_slice %arg4[%add3A, %dma_start3A_15, %dma_start3A_16] : memref<32x4x256xf32, #tpu.memory_space<hbm>> -> memref<1x4x256xf32, #tpu.memory_space<hbm>>
      %dma_start3A_18 = tpu.memref_squeeze %dma_start3A_17 : memref<1x4x256xf32, #tpu.memory_space<hbm>> -> memref<4x256xf32, #tpu.memory_space<hbm>>
      tpu.enqueue_dma source(%arg7 : memref<4x256xf32, #tpu.memory_space<vmem>>) target(%dma_start3A_18 : memref<4x256xf32, #tpu.memory_space<hbm>>) target_semaphore(%run_scoped3A : memref<!tpu.dma_semaphore, #tpu.memory_space<semaphore_mem>>)
      %dma_wait3A_19 = arith.constant 0 : i32
      %dma_wait3A_20 = arith.constant 0 : i32
      %dma_wait3A_21 = tpu.memref_slice %arg4[%add3A, %dma_wait3A_19, %dma_wait3A_20] : memref<32x4x256xf32, #tpu.memory_space<hbm>> -> memref<1x4x256xf32, #tpu.memory_space<hbm>>
      %dma_wait3A_22 = tpu.memref_squeeze %dma_wait3A_21 : memref<1x4x256xf32, #tpu.memory_space<hbm>> -> memref<4x256xf32, #tpu.memory_space<hbm>>
      %dma_wait3A_23 = arith.constant 0 : i32
      %dma_wait3A_24 = arith.constant 0 : i32
      %dma_wait3A_25 = tpu.memref_slice %arg4[%add3A, %dma_wait3A_23, %dma_wait3A_24] : memref<32x4x256xf32, #tpu.memory_space<hbm>> -> memref<1x4x256xf32, #tpu.memory_space<hbm>>
      %dma_wait3A_26 = tpu.memref_squeeze %dma_wait3A_25 : memref<1x4x256xf32, #tpu.memory_space<hbm>> -> memref<4x256xf32, #tpu.memory_space<hbm>>
      tpu.wait_dma2 semaphore(%run_scoped3A : memref<!tpu.dma_semaphore, #tpu.memory_space<semaphore_mem>>) src(%arg7 : memref<4x256xf32, #tpu.memory_space<vmem>>) dst(%dma_wait3A_26 : memref<4x256xf32, #tpu.memory_space<hbm>>)
      tpu.yield
    }) : () -> ()
    return
  }
}

module attributes {stable_mosaic.version = 14 : i64} {
  func.func @_dense_block(%arg0: i32, %arg1: memref<1024x2048xf32, #tpu.memory_space<vmem>>, %arg2: memref<1x2048xf32, #tpu.memory_space<vmem>>, %arg3: memref<16x2048xf32, #tpu.memory_space<vmem>>, %arg4: memref<1024x16xf32, #tpu.memory_space<vmem>>) attributes {dimension_semantics = [#tpu.dimension_semantics<arbitrary>], iteration_bounds = array<i64: 8>, scalar_prefetch = 0 : i64, scratch_operands = 0 : i64, tpu.core_type = #tpu.core_type<tc>, window_params = [{transform_indices = @transform_0, window_bounds = array<i64: 1024, 2048>}, {pipeline_mode = #tpu.pipeline_mode<synchronous>, transform_indices = @transform_1, window_bounds = array<i64: 1, 2048>}, {pipeline_mode = #tpu.pipeline_mode<synchronous>, transform_indices = @transform_2, window_bounds = array<i64: 16, 2048>}, {transform_indices = @transform_3, window_bounds = array<i64: 1024, 16>}]} {
    %get3A = arith.constant 0 : index
    %get3A_0 = arith.constant 0 : index
    %get3A_1 = vector.load %arg1[%get3A, %get3A_0] : memref<1024x2048xf32, #tpu.memory_space<vmem>>, vector<1024x2048xf32>
    %get3A_2 = arith.constant 0 : index
    %get3A_3 = arith.constant 0 : index
    %get3A_4 = vector.load %arg2[%get3A_2, %get3A_3] : memref<1x2048xf32, #tpu.memory_space<vmem>>, vector<1x2048xf32>
    %get3A_5 = arith.constant 0 : index
    %get3A_6 = arith.constant 0 : index
    %get3A_7 = vector.load %arg3[%get3A_5, %get3A_6] : memref<16x2048xf32, #tpu.memory_space<vmem>>, vector<16x2048xf32>
    %mul3A = arith.mulf %get3A_1, %get3A_1 : vector<1024x2048xf32>
    %reduce_sum3A = arith.constant dense<0.000000e+00> : vector<1024xf32>
    %reduce_sum3A_8 = vector.multi_reduction <add>, %mul3A, %reduce_sum3A [1] : vector<1024x2048xf32> to vector<1024xf32>
    %broadcast_in_dim3A = vector.shape_cast %reduce_sum3A_8 : vector<1024xf32> to vector<1024x1xf32>
    %div3A = arith.constant 2.048000e+03 : f32
    %div3A_9 = vector.broadcast %div3A : f32 to vector<1024x1xf32>
    %div3A_10 = arith.divf %broadcast_in_dim3A, %div3A_9 : vector<1024x1xf32>
    %add3A = arith.constant 9.99999997E-7 : f32
    %add3A_11 = vector.broadcast %add3A : f32 to vector<1024x1xf32>
    %add3A_12 = arith.addf %div3A_10, %add3A_11 : vector<1024x1xf32>
    %rsqrt3A = math.rsqrt %add3A_12 : vector<1024x1xf32>
    %mul3A_13 = vector.broadcast %rsqrt3A : vector<1024x1xf32> to vector<1024x2048xf32>
    %mul3A_14 = arith.mulf %get3A_1, %mul3A_13 : vector<1024x2048xf32>
    %mul3A_15 = vector.broadcast %get3A_4 : vector<1x2048xf32> to vector<1024x2048xf32>
    %mul3A_16 = arith.mulf %mul3A_14, %mul3A_15 : vector<1024x2048xf32>
    %mul3A_17 = arith.constant 0.0220970865 : f32
    %mul3A_18 = vector.broadcast %mul3A_17 : f32 to vector<1024x2048xf32>
    %mul3A_19 = arith.mulf %mul3A_16, %mul3A_18 : vector<1024x2048xf32>
    %dot_general3A = arith.constant dense<0.000000e+00> : vector<1024x16xf32>
    %dot_general3A_20 = tpu.matmul %mul3A_19, %get3A_7, %dot_general3A {dimension_numbers = #tpu.dot_dimension_numbers<[1], [1], [0], [0], [0, 0, 1, 0], [], []>, transpose_lhs_hint = false} : vector<1024x2048xf32>, vector<16x2048xf32>, vector<1024x16xf32> -> vector<1024x16xf32>
    %reduce_max3A = arith.constant dense<0xFF800000> : vector<1024xf32>
    %reduce_max3A_21 = vector.multi_reduction <maximumf>, %dot_general3A_20, %reduce_max3A [1] : vector<1024x16xf32> to vector<1024xf32>
    %broadcast_in_dim3A_22 = vector.shape_cast %reduce_max3A_21 : vector<1024xf32> to vector<1024x1xf32>
    %sub3A = vector.broadcast %broadcast_in_dim3A_22 : vector<1024x1xf32> to vector<1024x16xf32>
    %sub3A_23 = arith.subf %dot_general3A_20, %sub3A : vector<1024x16xf32>
    %exp3A = math.exp %sub3A_23 : vector<1024x16xf32>
    %reduce_sum3A_24 = arith.constant dense<0.000000e+00> : vector<1024xf32>
    %reduce_sum3A_25 = vector.multi_reduction <add>, %exp3A, %reduce_sum3A_24 [1] : vector<1024x16xf32> to vector<1024xf32>
    %broadcast_in_dim3A_26 = vector.shape_cast %reduce_sum3A_25 : vector<1024xf32> to vector<1024x1xf32>
    %div3A_27 = vector.broadcast %broadcast_in_dim3A_26 : vector<1024x1xf32> to vector<1024x16xf32>
    %div3A_28 = arith.divf %exp3A, %div3A_27 : vector<1024x16xf32>
    %swap3A = arith.constant 0 : index
    %swap3A_29 = arith.constant 0 : index
    %swap3A_30 = vector.load %arg4[%swap3A, %swap3A_29] : memref<1024x16xf32, #tpu.memory_space<vmem>>, vector<1024x16xf32>
    tpu.vector_store %arg4[%swap3A, %swap3A_29], %div3A_28 {strides = array<i32>} : memref<1024x16xf32, #tpu.memory_space<vmem>>, vector<1024x16xf32>,
    return
  }
  func.func @transform_0(%arg0: i32) -> (i32, i32) {
    %c0_i32 = arith.constant 0 : i32
    %c0_i32_0 = arith.constant 0 : i32
    return %arg0, %c0_i32 : i32, i32
  }
  func.func @transform_1(%arg0: i32) -> (i32, i32) {
    %c0_i32 = arith.constant 0 : i32
    %c0_i32_0 = arith.constant 0 : i32
    %c0_i32_1 = arith.constant 0 : i32
    return %c0_i32, %c0_i32_0 : i32, i32
  }
  func.func @transform_2(%arg0: i32) -> (i32, i32) {
    %c0_i32 = arith.constant 0 : i32
    %c0_i32_0 = arith.constant 0 : i32
    %c0_i32_1 = arith.constant 0 : i32
    return %c0_i32, %c0_i32_0 : i32, i32
  }
  func.func @transform_3(%arg0: i32) -> (i32, i32) {
    %c0_i32 = arith.constant 0 : i32
    %c0_i32_0 = arith.constant 0 : i32
    return %arg0, %c0_i32 : i32, i32
  }
}

</mosaic_0001>

<sc_bundles>
// kernel: kernel.4.cloned.1.call-start
scs
__scs_entry_jumppad:
0x0: {  	(pc) =	sbr.rel $0x88, $3  }
0x1: {  	(tag) =	ssettag $0x0;
	lr =	simm.s32 $0x1  }
0x2: {  	[smem:$0x3F9D] =	sst lr;
	_ =	strace $0xD0000000  }
0x3: {  	_ = 	snop  }
0x4: {  	_ = 	snop  }
0x5: {  	_ = 	snop  }
0x6: {  	_ = 	snop  }
0x7: {  	_ = 	snop  }
__scs_overlays_trampoline_lowered:
0x8: {  	[smem:$0x3FAC] =	sst s0  }
0x9: {  	[smem:$0x3FAD] =	sst s1  }
0xa: {  	[smem:$0x3FAE] =	sst s2  }
0xb: {  	[smem:$0x3FAF] =	sst s3  }
0xc: {  	[smem:$0x3FB0] =	sst s4  }
0xd: {  	[smem:$0x3FB1] =	sst s5  }
0xe: {  	[smem:$0x3FB2] =	sst s6  }
0xf: {  	[smem:$0x3FB3] =	sst s7  }
0x10: {  	[smem:$0x3FB4] =	sst s8  }
0x11: {  	[smem:$0x3FB5] =	sst s9;
	s0 =	simm.s32 @!p0 $0x0  }
0x12: {  	s1 =	sld [smem:$0x3F9B];
	s0 =	simm.s32 @p0 $0x1  }
0x13: {  	[smem:$0x3FB6] =	sst s0;
	s0 =	simm.s32 @!p1 $0x0  }
0x14: {  	s2 =	sld [smem:$0x3F9A];
	s0 =	simm.s32 @p1 $0x1  }
0x15: {  	[smem:$0x3FB7] =	sst s0;
	s0 =	simm.s32 @!p2 $0x0  }
0x16: {  	s3 =	sld [smem:$0x3FDB];
	s0 =	simm.s32 @p2 $0x1  }
0x17: {  	s4 =	simm.s32 $0x1BF5;
	[smem:$0x3FB9] =	sst s0  }
0x18: {  	s0 =	sld [smem:$0x3F9C];
	_ =	swait.ge [sflag:s4], $0x0  }
0x19: {  	s7 =	sld [smem:$0x3F9D]  }
0x1a: {  	s8 =	sadd.s32 $0xFFFFE003, lr  }
0x1b: {  	s9 =	sadd.s32 $0xFFFFFEF7, lr;
	s5 =	simm.s32 $0xFFFFFFFF;
	p2 =	slt.u32 s8, $0xFFFFF086  }
0x1c: {  	p1 =	slt.u32 s9, $0xF7A;
	s5 =	simm.s32 @!p2 $0x0  }
0x1d: {  	s5 =	simm.s32 @p1 $0x1;
	p0 =	seq.s32 s7, s2  }
0x1e: {  	s7 =	smul.u32 @!p0 $0xF7A, s2;
	p2 =	seq.s32 @!p0 s5, $0x0  }
0x1f: {  	s9 =	smul.u32 $0xF7A, s1;
	s8 =	simm.s32 @!p0 $0x1BF5;
	p2 =	por !p2, p0  }
0x20: {  	[sflag:s8] =	ssyncset.s32 @!p0 $0xFFFFF086;
	s6 =	sadd.s32 @!p0 s3, s7;
	s7 =	simm.s32 @!p0 $0x108  }
0x21: {  	s3 =	sadd.s32 s3, s9;
	s6 =	sadd.s32 @!p0 $0x88, s6;
	s7 =	simm.s32 @p2 $0x1082  }
0x22: {  	[simem:s7], [sflag:s8] =	dma.local @!p0 [hbm:s6], $0xF7A  }
0x23: {  	s9 =	sor.u32 $0xD0000000, s2;
	s6 =	simm.s32 $0x108;
	_ =	swait.ge @!p0 [sflag:s8], $0x0  }
0x24: {  	s3 =	sadd.s32 $0x88, s3;
	s6 =	simm.s32 @!p1 $0x1082;
	[sflag:s4] =	ssyncset.s32 $0xFFFFF086  }
0x25: {  	[simem:s6], [sflag:s4] =	dma.local [hbm:s3], $0xF7A  }
0x26: {  	[smem:$0x3F9D] =	sst s1;
	(tag) =	ssettag s2;
	_ =	strace s9  }
0x27: {  	s1 =	sld [smem:$0x3FAD]  }
0x28: {  	s2 =	sld [smem:$0x3FAE]  }
0x29: {  	s4 =	sld [smem:$0x3FB0]  }
0x2a: {  	p0 =	seq.s32 s5, $0x0;
	s5 =	sld [smem:$0x3FB1]  }
0x2b: {  	s6 =	sld [smem:$0x3FB2]  }
0x2c: {  	s7 =	sld [smem:$0x3FB3]  }
0x2d: {  	s3 =	simm.s32 $0x108;
	s8 =	sld [smem:$0x3FB4]  }
0x2e: {  	s3 =	simm.s32 @!p0 $0x1082;
	s9 =	sld [smem:$0x3FB5]  }
0x2f: {  	lr =	sadd.s32 s0, s3;
	s0 =	sld [smem:$0x3FAC]  }
0x30: {  	s3 =	sld [smem:$0x3FAF]  }
0x31: {  	[smem:$0x3FB8] =	sst s10  }
0x32: {  	s10 =	sld [smem:$0x3FB6];
	_ =	sdelay $0x3  }
0x33: {  	p0 =	seq.s32 s10, $0x1;
	s10 =	sld [smem:$0x3FB8];
	_ =	sdelay $0x3  }
0x34: {  	[smem:$0x3FB8] =	sst s10  }
0x35: {  	s10 =	sld [smem:$0x3FB7];
	_ =	sdelay $0x3  }
0x36: {  	p1 =	seq.s32 s10, $0x1;
	s10 =	sld [smem:$0x3FB8];
	_ =	sdelay $0x3  }
0x37: {  	[smem:$0x3FB8] =	sst s10  }
0x38: {  	s10 =	sld [smem:$0x3FB9]  }
0x39: {  	_ = 	snop;
	(pc) =	sbr.ind lr, $3  }
0x3a: {  	_ = 	snop  }
0x3b: {  	_ = 	snop  }
0x3c: {  	p2 =	seq.s32 s10, $0x1;
	s10 =	sld [smem:$0x3FB8]  }
0x3d: {  	_ =	shalt  }
0x3e: {  	_ =	shalt  }
0x3f: {  	_ =	shalt  }
0x40: {  	_ =	shalt  }
0x41: {  	_ =	shalt  }
0x42: {  	_ =	shalt  }
0x43: {  	_ =	shalt  }
0x44: {  	_ =	shalt  }
0x45: {  	_ =	shalt  }
0x46: {  	_ =	shalt  }
0x47: {  	_ =	shalt  }
0x48: {  	_ =	shalt  }
0x49: {  	_ =	shalt  }
0x4a: {  	_ =	shalt  }
0x4b: {  	_ =	shalt  }
0x4c: {  	_ =	shalt  }
0x4d: {  	_ =	shalt  }
0x4e: {  	_ =	shalt  }
0x4f: {  	_ =	shalt  }
0x50: {  	_ =	shalt  }
0x51: {  	_ =	shalt  }
0x52: {  	_ =	shalt  }
0x53: {  	_ =	shalt  }
0x54: {  	_ =	shalt  }
0x55: {  	_ =	shalt  }
0x56: {  	_ =	shalt  }
0x57: {  	_ =	shalt  }
0x58: {  	_ =	shalt  }
0x59: {  	_ =	shalt  }
0x5a: {  	_ =	shalt  }
0x5b: {  	_ =	shalt  }
0x5c: {  	_ =	shalt  }
0x5d: {  	_ =	shalt  }
0x5e: {  	_ =	shalt  }
0x5f: {  	_ =	shalt  }
0x60: {  	_ =	shalt  }
0x61: {  	_ =	shalt  }
0x62: {  	_ =	shalt  }
0x63: {  	_ =	shalt  }
0x64: {  	_ =	shalt  }
0x65: {  	_ =	shalt  }
0x66: {  	_ =	shalt  }
0x67: {  	_ =	shalt  }
0x68: {  	_ =	shalt  }
0x69: {  	_ =	shalt  }
0x6a: {  	_ =	shalt  }
0x6b: {  	_ =	shalt  }
0x6c: {  	_ =	shalt  }
0x6d: {  	_ =	shalt  }
0x6e: {  	_ =	shalt  }
0x6f: {  	_ =	shalt  }
0x70: {  	_ =	shalt  }
0x71: {  	_ =	shalt  }
0x72: {  	_ =	shalt  }
0x73: {  	_ =	shalt  }
0x74: {  	_ =	shalt  }
0x75: {  	_ =	shalt  }
0x76: {  	_ =	shalt  }
0x77: {  	_ =	shalt  }
0x78: {  	_ =	shalt  }
0x79: {  	_ =	shalt  }
0x7a: {  	_ =	shalt  }
0x7b: {  	_ =	shalt  }
0x7c: {  	_ =	shalt  }
0x7d: {  	_ =	shalt  }
0x7e: {  	_ =	shalt  }
0x7f: {  	_ =	shalt  }
0x80: {  	_ =	shalt  }
0x81: {  	_ =	shalt  }
0x82: {  	_ =	shalt  }
0x83: {  	_ =	shalt  }
0x84: {  	_ =	shalt  }
0x85: {  	_ =	shalt  }
0x86: {  	_ =	shalt  }
0x87: {  	_ =	shalt  }
.Lfunc_end0:
.L_simem_size_0:
called_computation_lowered:
.L_overlay_start_0:
0x88: {  	s2 =	sld [smem:$0x3FD9]  }
0x89: {  	s3 =	sld [smem:$0x3FFE];
	_ =	sdelay $0x1  }
0x8a: {  	s1 =	srdreg.scid  }
0x8b: {  	s0 =	sand.u32 $0x1, s1  }
0x8c: {  	s17 =	sshll.u32 s0, $0xA;
	s2 =	sadd.s32 s3, s2  }
0x8d: {  	s2 =	sadd.s32 s2, s17  }
0x8e: {  	[smem:$0x3FC4] =	sst s2  }
0x8f: {  	_ = 	snop  }
0x90: {  	s2 =	sld [smem:$0x3FC7];
	(tm) =	ssettm $0x1  }
0x91: {  	s18 =	sld [smem:$0x3FFB];
	_ =	sdelay $0x3  }
0x92: {  	_ =	strace s18  }
0x93: {  	s3 =	sld [smem:$0x3FFC];
	_ =	sdelay $0x3  }
0x94: {  	_ =	strace s3  }
0x95: {  	s3 =	sld [smem:$0x3FFD];
	_ =	sdelay $0x3  }
0x96: {  	_ =	strace s3  }
0x97: {  	_ =	strace $0x8FFFFFFF  }
0x98: {  	s19 =	sld [smem:$0x3FDB];
	_ =	sdelay $0x1  }
0x99: {  	s4 =	simm.s32 $_scs_section_size  }
0x9a: {  	s5 =	simm.s32 $_size__tile_overlayer_lowered;
	s6 =	simm.s32 $_tile_overlayer_lowered  }
0x9b: {  	s22 =	simm.s32 $0x1BFF;
	s21 =	sshll.u32 s6, $0x1;
	s3 =	sadd.s32 s4, s19  }
0x9c: {  	s7 =	simm.s32 $0x0;
	s20 =	sshll.u32 s5, $0x1;
	s5 =	sadd.s32 s21, s3  }
0x9d: {  	[timem:s7], [sflag:s22] =	dma.local [hbm:s5], s20  }
0x9e: {  	_ =	swait.ge [sflag:s22], s20  }
0x9f: {  	s4 =	ssub.s32 $0x0, s20;
	[sflag:s22] =	ssyncset.done $0x0  }
0xa0: {  	[sflag:s22] =	ssyncadd.s32 s4;
	_ =	sdelay $0x1  }
0xa1: {  	s23 =	simm.s32 $0x1B8B  }
0xa2: {  	_ =	swait.ge [sflag:s23], $0x1  }
0xa3: {  	[sflag:s23] =	ssyncset.done $0x0  }
0xa4: {  	s25 =	simm.s32 $0x1B8E;
	s24 =	sld [smem:$0x3FFE];
	[sflag:s23] =	ssyncadd.s32 $0xFFFFFFFF  }
0xa5: {  	s26 =	simm.s32 $execute0_lowered;
	[smem:$0x3FD2] =	sst s25  }
0xa6: {  	s5 =	sshll.u32 s26, $0x1;
	_ =	strace $0x80000046;
	[dreg:$0x1] =	wrdreg $0xFFFFFFFF  }
0xa7: {  	s28 =	simm.s32 $_size_execute0_lowered;
	s3 =	sadd.s32 s3, s5;
	[dreg:$0x0] =	wrdreg $0x0  }
0xa8: {  	s5 =	sshll.u32 s28, $0x1;
	[dreg:$0x2] =	wrdreg s3  }
0xa9: {  	[dreg:$0x3] =	wrdreg s5  }
0xaa: {  	[dreg:$0x4] =	wrdreg $0xC0  }
0xab: {  	_ =	task [dreg:s7], $0x5FFFF  }
0xac: {  	[dreg:$0x1] =	wrdreg $0xFFFFFFFF  }
0xad: {  	[dreg:$0x0] =	wrdreg $0x60  }
0xae: {  	[dreg:$0x2] =	wrdreg s24  }
0xaf: {  	[dreg:$0x3] =	wrdreg s2  }
0xb0: {  	[dreg:$0x4] =	wrdreg $0x9  }
0xb1: {  	_ =	task.clear_ibuf [dreg:s7], $0x5FFFF;
	_ =	strace $0x90000046  }
0xb2: {  	s29 =	simm.s32 $0x9;
	_ =	strace $0x80000048  }
0xb3: {  	_ =	swait.ge [sflag:s29], $0x1  }
0xb4: {  	[sflag:s29] =	ssyncadd.s32 $0xFFFFFFFF  }
0xb5: {  	_ =	strace $0x90000048  }
0xb6: {  	_ =	sfence  }
0xb7: {  	s30 =	sld [smem:$0x0];
	_ =	sdelay $0x2  }
0xb8: {  	s31 =	sshll.u32 s1, $0xD;
	s1 =	sshrl.u32 s1, $0x2  }
0xb9: {  	s3 =	sand.u32 $0x4000, s31;
	s1 =	sadd.s32 s1, s30  }
0xba: {  	s0 =	sor.u32 s3, s0;
	s1 =	sshll.u32 s1, $0x11  }
0xbb: {  	s0 =	sor.u32 s1, s0  }
0xbc: {  	s0 =	sadd.s32 $0x8F2B, s0  }
0xbd: {  	[sflag:s0] =	ssyncadd.remote.s32 $0x1  }
0xbe: {  	_ =	sfence.sel $0xFFFF  }
0xbf: {  	[dreg:$0x0] =	wrdreg $0xFFFFFFFF;
	(pc) =	sbr.abs _section_cstart, $3  }
0xc0: {  	[dreg:$0x1] =	wrdreg $0xFFFFFFFF  }
0xc1: {  	_ =	task.clear_ibuf [dreg:s7], $0x2FFFF;
	_ =	strace $0x9FFFFFFF  }
0xc2: {  	(tm) =	ssettm $0x7FFFFFFF  }
0xc3: {  	_ =	shalt  }
tec
execute0_lowered:
.L_overlay_start_1:
0x0: {  	(tag) =	ssettag $0x1  }
0x1: {  	s4 =	rddreg [dreg:$0x0]  }
0x2: {  	s2 =	rddreg [dreg:$0x1]  }
0x3: {  	s0 =	rddreg [dreg:$0x2]  }
0x4: {  	s3 =	simm.s32 $0x0;
	s5 =	srdreg.scid;
	s1 =	stileid.u32  }
0x5: {  	s9 =	simm.s32 $0x2;
	s10 =	simm.s32 $0x8080;
	s11 =	simm.s32 $0x3  }
0x6: {  	[smem:$0x7FF] =	sst s3;
	s5 =	sand.u32 $0x1, s5;
	s6 =	sshll.u32 s1, $0x1  }
0x7: {  	s12 =	simm.s32 $0x0;
	_ =	strace $0x80000047;
	s6 =	sor.u32 s5, s6  }
0x8: {  	s5 =	ssub.s32 $0x2, s5;
	s7 =	sshll.u32 s6, $0xC;
	s6 =	sshll.u32 s6, $0x7  }
0x9: {  	s8 =	sshrl.u32 s5, $0x1;
	s7 =	sadd.s32 s7, s4;
	s6 =	sadd.s32 s6, s4  }
0xa: {  	v0 =	vlaneseq.u32;
	s8 =	ssub.s32 s5, s8;
	s4 =	sadd.s32 $0xE00, s7;
	s5 =	sadd.s32 $0x20E00, s6  }
0xb: {  	v1 =	vimm.s32 $0x0;
	v0 =	vmul.u32 $0x80, v0;
	s6 =	smax.u32 s8, $0x1;
	s7 =	simm.s32 $0x8000;
	s8 =	simm.s32 $0x1  }
.LBB2_1:
0xc: {  	[tilespmem:s3], [sflag:$0x1] =	stream.linear.gather [hbm4b:s4+s3], $0x8000, $0x38;
	[tilespmem:$0x8480] =	vst v63  }
0xd: {  	s13 =	simm.s32 $0x10  }
0xe: {  	v2 =	vmov s13;
	[tilespmem:s7], [sflag:$0x2] =	stream.linear.gather [hbm4b:s2+s3], $0x80, $0x38;
	[tilespmem:$0x8480] =	vst v63  }
0xf: {  	v2 =	vshll.u32 v2, $0x7;
	_ =	swait.ge [sflag:s8], $0x8000  }
0x10: {  	v3 =	vor.u32 v0, v2;
	[sflag:s8] =	ssyncset.done $0x0  }
0x11: {  	v2 =	vmov s3;
	[sflag:s8] =	ssyncadd.s32 $0xFFFF8000  }
0x12: {  	v4 =	vor.u32 $0x1, v3;
	v2 =	vshll.u32 v2, $0x7;
	_ =	swait.ge [sflag:s9], $0x80  }
0x13: {  	v2 =	vor.u32 v0, v2;
	[sflag:s9] =	ssyncset.done $0x0  }
0x14: {  	v7 =	vor.u32 $0x1, v2;
	[sflag:s9] =	ssyncadd.s32 $0xFFFFFF80  }
0x15: {  	v5 =	vld.idx.msk [tilespmem:v3+s3+$0x0], $0xffff  }
0x16: {  	v6 =	vor.u32 $0x2, v3  }
0x17: {  	v4 =	vld.idx.msk [tilespmem:v4+s3+$0x0], $0xffff  }
0x18: {  	v9 =	vor.u32 $0x3, v3;
	v11 =	vor.u32 $0x4, v3  }
0x19: {  	v22 =	vor.u32 $0xB, v3;
	v25 =	vor.u32 $0xC, v3;
	v10 =	vor.u32 $0x2, v2;
	v7 =	vld.idx.msk [tilespmem:v7+s3+$0x0], $0xffff  }
0x1a: {  	v17 =	vor.u32 $0x3, v2;
	v18 =	vor.u32 $0x4, v2;
	v8 =	vld.idx.msk [tilespmem:v2+s3+$0x0], $0xffff;
	vm0 =	vgt.f32 v5, $-Inf  }
0x1b: {  	v19 =	vor.u32 $0x5, v2;
	v20 =	vor.u32 $0x6, v2;
	v6 =	vld.idx.msk [tilespmem:v6+s3+$0x0], $0xffff;
	v5 =	vnsel vm0, $0xFF800000, v5  }
0x1c: {  	vm1 =	vgt.f32 v4, $-Inf;
	vm0 =	vlt.f32 v4, $-Inf;
	vm4 =	vgt.f32 v4, v5  }
0x1d: {  	v21 =	vor.u32 $0x7, v2;
	vm0 =	vmor vm1, vm0;
	vm2 =	vmneg vm4  }
0x1e: {  	v46 =	vor.u32 $0xE, v2;
	vm3 =	vgt.f32 v7, $-Inf;
	vm8 =	vmand vm0, vm2  }
0x1f: {  	v9 =	vld.idx.msk [tilespmem:v9+s3+$0x0], $0xffff;
	vm0 =	vgt.f32 v8, $-Inf;
	v12 =	vnsel vm8, $0xFF800000, v4;
	v4 =	vsel vm2, v5, v4  }
0x20: {  	v8 =	vnsel vm0, $0xFF800000, v8;
	v5 =	vsel vm2, v12, v5;
	vm1 =	vgt.f32 v6, v4  }
0x21: {  	v14 =	vsel vm8, $0x1, v1;
	vm6 =	vmneg vm1;
	vm1 =	vgt.f32 v6, v5  }
0x22: {  	vm0 =	vgt.f32 v7, v8;
	v12 =	vor.u32 $0x5, v3;
	vm9 =	vmand vm6, vm1  }
0x23: {  	v11 =	vld.idx.msk [tilespmem:v11+s3+$0x0], $0xffff;
	vm2 =	vlt.f32 v7, $-Inf;
	v5 =	vsel vm9, v6, v5;
	v6 =	vsel vm6, v4, v6  }
0x24: {  	vm2 =	vmor vm3, vm2;
	v4 =	vsel vm6, v5, v4;
	vm5 =	vgt.f32 v9, v6  }
0x25: {  	v13 =	vld.idx.msk [tilespmem:v10+s3+$0x0], $0xffff;
	vm1 =	vmneg vm0;
	vm7 =	vmneg vm5;
	vm3 =	vgt.f32 v9, v4  }
0x26: {  	vm10 =	vmand vm2, vm1;
	v5 =	vor.u32 $0x6, v3;
	vm12 =	vmand vm7, vm3  }
0x27: {  	v10 =	vnsel vm10, $0xFF800000, v7;
	v12 =	vld.idx.msk [tilespmem:v12+s3+$0x0], $0xffff;
	v4 =	vsel vm12, v9, v4;
	v9 =	vsel vm7, v6, v9  }
0x28: {  	v7 =	vsel vm1, v8, v7;
	v4 =	vsel vm7, v4, v6;
	vm2 =	vgt.f32 v11, v9  }
0x29: {  	v8 =	vsel vm1, v10, v8;
	vm5 =	vmneg vm2;
	vm2 =	vgt.f32 v11, v4  }
0x2a: {  	vm1 =	vgt.f32 v13, v7;
	v6 =	vor.u32 $0x7, v3;
	vm11 =	vmand vm5, vm2  }
0x2b: {  	vm1 =	vmneg vm1;
	v10 =	vld.idx.msk [tilespmem:v5+s3+$0x0], $0xffff;
	v5 =	vsel vm5, v9, v11;
	v4 =	vsel vm11, v11, v4  }
0x2c: {  	vm2 =	vgt.f32 v13, v8;
	vm3 =	vgt.f32 v12, v5;
	v4 =	vsel vm5, v4, v9  }
0x2d: {  	vm13 =	vmand vm1, vm2;
	vm2 =	vmneg vm3;
	vm3 =	vgt.f32 v12, v4  }
0x2e: {  	v11 =	vor.u32 $0x8, v3;
	v9 =	vsel vm10, $0x1, v1;
	vm10 =	vmand vm2, vm3  }
0x2f: {  	v8 =	vsel vm13, v13, v8;
	v6 =	vld.idx.msk [tilespmem:v6+s3+$0x0], $0xffff;
	v4 =	vsel vm10, v12, v4;
	v12 =	vsel vm2, v5, v12  }
0x30: {  	v8 =	vsel vm1, v8, v7;
	v4 =	vsel vm2, v4, v5;
	vm3 =	vgt.f32 v10, v12  }
0x31: {  	v7 =	vsel vm1, v7, v13;
	vm3 =	vmneg vm3;
	vm15 =	vgt.f32 v10, v4  }
0x32: {  	v13 =	vor.u32 $0xD, v3;
	vm8 =	vmand vm3, vm15;
	v15 =	vsel vm3, v12, v10  }
0x33: {  	v16 =	vld.idx.msk [tilespmem:v11+s3+$0x0], $0xffff;
	v4 =	vsel vm8, v10, v4;
	v10 =	vsel vm9, $0x2, v14;
	v14 =	vor.u32 $0x9, v3  }
0x34: {  	v5 =	vsel vm13, $0x2, v9;
	v9 =	vsel vm4, $0x1, v1;
	vm13 =	vgt.f32 v6, v15  }
0x35: {  	v11 =	vnsel vm6, $0x2, v9;
	v4 =	vsel vm3, v4, v12;
	vm4 =	vmneg vm13  }
0x36: {  	v9 =	vsel vm6, v10, v9;
	v10 =	vor.u32 $0xA, v3;
	vm14 =	vgt.f32 v6, v4  }
0x37: {  	v9 =	vsel vm12, $0x3, v9;
	v12 =	vsel vm4, v15, v6;
	vm9 =	vmand vm4, vm14  }
0x38: {  	vm15 =	vgt.f32 v16, v12;
	v4 =	vsel vm9, v6, v4;
	v6 =	vsel vm7, v9, v11;
	v14 =	vld.idx.msk [tilespmem:v14+s3+$0x0], $0xffff  }
0x39: {  	vm6 =	vmneg vm15;
	v4 =	vsel vm4, v4, v15;
	v15 =	vnsel vm7, $0x3, v11  }
0x3a: {  	v9 =	vsel vm11, $0x4, v6;
	v6 =	vor.u32 $0x8, v2;
	vm11 =	vgt.f32 v16, v4  }
0x3b: {  	v11 =	vor.u32 $0x9, v2;
	v24 =	vnsel vm5, $0x4, v15;
	vm11 =	vmand vm6, vm11  }
0x3c: {  	v23 =	vld.idx.msk [tilespmem:v10+s3+$0x0], $0xffff;
	v9 =	vsel vm5, v9, v15;
	v4 =	vsel vm11, v16, v4;
	v16 =	vsel vm6, v12, v16  }
0x3d: {  	v10 =	vor.u32 $0xB, v2;
	v4 =	vsel vm6, v4, v12;
	vm12 =	vgt.f32 v14, v16  }
0x3e: {  	v15 =	vsel vm10, $0x5, v9;
	vm13 =	vgt.f32 v14, v4;
	vm5 =	vmneg vm12  }
0x3f: {  	v9 =	vor.u32 $0xC, v2;
	v15 =	vsel vm2, v15, v24;
	vm10 =	vmand vm5, vm13  }
0x40: {  	v22 =	vld.idx.msk [tilespmem:v22+s3+$0x0], $0xffff;
	v12 =	vor.u32 $0xA, v2;
	v4 =	vsel vm10, v14, v4;
	v14 =	vsel vm5, v16, v14  }
0x41: {  	v4 =	vsel vm5, v4, v16;
	v16 =	vld.idx.msk [tilespmem:v17+s3+$0x0], $0xffff;
	v17 =	vnsel vm2, $0x5, v24;
	vm2 =	vgt.f32 v23, v14  }
0x42: {  	v15 =	vsel vm8, $0x6, v15;
	vm7 =	vmneg vm2;
	vm2 =	vgt.f32 v23, v4  }
0x43: {  	v15 =	vsel vm3, v15, v17;
	v17 =	vnsel vm3, $0x6, v17;
	vm12 =	vmand vm7, vm2  }
0x44: {  	v15 =	vsel vm9, $0x7, v15;
	v4 =	vsel vm12, v23, v4;
	v23 =	vsel vm7, v14, v23  }
0x45: {  	v15 =	vsel vm4, v15, v17;
	vm2 =	vgt.f32 v22, v23;
	v4 =	vsel vm7, v4, v14  }
0x46: {  	v41 =	vld.idx.msk [tilespmem:v25+s3+$0x0], $0xffff;
	v14 =	vnsel vm4, $0x7, v17;
	v17 =	vor.u32 $0xE, v3;
	v15 =	vsel vm11, $0x8, v15  }
0x47: {  	v3 =	vor.u32 $0xF, v3;
	vm3 =	vgt.f32 v16, v7;
	vm8 =	vmneg vm2  }
0x48: {  	vm2 =	vgt.f32 v22, v4;
	v15 =	vsel vm6, v15, v14;
	v14 =	vnsel vm6, $0x8, v14  }
0x49: {  	vm15 =	vgt.f32 v16, v8;
	vm9 =	vmand vm8, vm2;
	v42 =	vsel vm8, v23, v22  }
0x4a: {  	v15 =	vsel vm10, $0x9, v15;
	v44 =	vnsel vm5, $0x9, v14;
	v4 =	vsel vm9, v22, v4  }
0x4b: {  	v13 =	vld.idx.msk [tilespmem:v13+s3+$0x0], $0xffff;
	vm2 =	vgt.f32 v41, v42;
	v14 =	vsel vm5, v15, v14;
	v15 =	vor.u32 $0xD, v2  }
0x4c: {  	v2 =	vor.u32 $0xF, v2;
	v4 =	vsel vm8, v4, v23;
	vm4 =	vmneg vm2  }
0x4d: {  	vm2 =	vmneg vm3;
	v14 =	vsel vm12, $0xA, v14;
	vm14 =	vgt.f32 v41, v4  }
0x4e: {  	vm3 =	vmand vm2, vm15;
	v17 =	vld.idx.msk [tilespmem:v17+s3+$0x0], $0xffff;
	v43 =	vsel vm4, v42, v41;
	vm10 =	vmand vm4, vm14  }
0x4f: {  	v18 =	vld.idx.msk [tilespmem:v18+s3+$0x0], $0xffff;
	v14 =	vsel vm7, v14, v44;
	v8 =	vsel vm3, v16, v8;
	v4 =	vsel vm10, v41, v4  }
0x50: {  	vm13 =	vgt.f32 v13, v43;
	v16 =	vsel vm2, v7, v16;
	v4 =	vsel vm4, v4, v42  }
0x51: {  	v14 =	vsel vm9, $0xB, v14;
	vm5 =	vmneg vm13;
	vm14 =	vgt.f32 v13, v4  }
0x52: {  	v3 =	vld.idx.msk [tilespmem:v3+s3+$0x0], $0xffff;
	v8 =	vsel vm2, v8, v7;
	v7 =	vsel vm5, v43, v13;
	vm11 =	vmand vm5, vm14  }
0x53: {  	vm15 =	vgt.f32 v17, v7;
	v4 =	vsel vm11, v13, v4;
	v13 =	vnsel vm7, $0xA, v44  }
0x54: {  	vm6 =	vmneg vm15;
	vm15 =	vgt.f32 v18, v8;
	v4 =	vsel vm5, v4, v43  }
0x55: {  	v14 =	vsel vm8, v14, v13;
	v13 =	vnsel vm8, $0xB, v13;
	vm12 =	vgt.f32 v17, v4  }
0x56: {  	vm8 =	vgt.f32 v18, v16;
	v45 =	vsel vm6, v7, v17;
	vm12 =	vmand vm6, vm12  }
0x57: {  	v14 =	vsel vm10, $0xC, v14;
	vm13 =	vgt.f32 v3, v45;
	v4 =	vsel vm12, v17, v4  }
0x58: {  	vm9 =	vmneg vm13;
	v4 =	vsel vm6, v4, v7;
	v7 =	vsel vm4, v14, v13;
	v14 =	vld.idx.msk [tilespmem:v19+s3+$0x0], $0xffff  }
0x59: {  	v13 =	vnsel vm4, $0xC, v13;
	vm4 =	vmneg vm8;
	vm14 =	vgt.f32 v3, v4  }
0x5a: {  	v17 =	vsel vm11, $0xD, v7;
	vm7 =	vmand vm4, vm15;
	vm13 =	vmand vm9, vm14  }
0x5b: {  	v47 =	vsel vm7, v18, v8;
	v8 =	vsel vm9, v45, v3;
	v4 =	vsel vm13, v3, v4  }
0x5c: {  	v3 =	vsel vm4, v16, v18;
	v16 =	vsel vm4, v47, v16;
	v7 =	vsel vm9, v4, v45  }
0x5d: {  	v20 =	vld.idx.msk [tilespmem:v20+s3+$0x0], $0xffff;
	v4 =	vsel vm5, v17, v13;
	v13 =	vnsel vm5, $0xD, v13;
	vm14 =	vgt.f32 v14, v3  }
0x5e: {  	v4 =	vsel vm12, $0xE, v4;
	vm15 =	vgt.f32 v14, v16;
	v38 =	vadd.f32 v7, v8  }
0x5f: {  	vm5 =	vmneg vm14;
	v4 =	vsel vm6, v4, v13;
	v13 =	vnsel vm6, $0xE, v13  }
0x60: {  	v17 =	vld.idx.msk [tilespmem:v21+s3+$0x0], $0xffff;
	vm8 =	vmand vm5, vm15;
	v48 =	vsel vm13, $0xF, v4;
	v49 =	vsel vm5, v3, v14  }
0x61: {  	v4 =	vnsel vm9, $0xF, v13;
	(erf) = vrcp.f32 v38;
	v14 =	vsel vm8, v14, v16  }
0x62: {  	vm11 =	vgt.f32 v20, v49;
	v3 =	vsel vm5, v14, v3;
	v14 =	vld.idx.msk [tilespmem:v6+s3+$0x0], $0xffff;
	v6 =	vsel vm9, v48, v13  }
0x63: {  	vm6 =	vmneg vm11;
	v13 =	vsel vm0, $0x1, v1;
	vm12 =	vgt.f32 v20, v3  }
0x64: {  	v16 =	vsel vm6, v49, v20;
	v5 =	vsel vm1, v5, v13;
	v13 =	vnsel vm1, $0x2, v13  }
0x65: {  	vm0 =	vmand vm6, vm12;
	vm13 =	vgt.f32 v17, v16;
	v5 =	vsel vm3, $0x3, v5  }
0x66: {  	v11 =	vld.idx.msk [tilespmem:v11+s3+$0x0], $0xffff;
	v3 =	vsel vm0, v20, v3;
	vm3 =	vmneg vm13;
	v5 =	vsel vm2, v5, v13  }
0x67: {  	v13 =	vnsel vm2, $0x3, v13;
	v3 =	vsel vm6, v3, v49;
	v50 =	vsel vm3, v16, v17  }
0x68: {  	v5 =	vsel vm7, $0x4, v5;
	vm1 =	vgt.f32 v17, v3;
	vm14 =	vgt.f32 v14, v50  }
0x69: {  	v12 =	vld.idx.msk [tilespmem:v12+s3+$0x0], $0xffff;
	v5 =	vsel vm4, v5, v13;
	vm1 =	vmand vm3, vm1;
	vm7 =	vmneg vm14  }
0x6a: {  	v13 =	vnsel vm4, $0x4, v13;
	v3 =	vsel vm1, v17, v3;
	v17 =	vsel vm7, v50, v14  }
0x6b: {  	v5 =	vsel vm8, $0x5, v5;
	v3 =	vsel vm3, v3, v16;
	vm2 =	vgt.f32 v11, v17  }
0x6c: {  	v10 =	vld.idx.msk [tilespmem:v10+s3+$0x0], $0xffff;
	v5 =	vsel vm5, v5, v13;
	vm15 =	vgt.f32 v14, v3;
	vm2 =	vmneg vm2  }
0x6d: {  	v13 =	vnsel vm5, $0x5, v13;
	vm9 =	vmand vm7, vm15;
	v16 =	vsel vm2, v17, v11  }
0x6e: {  	v49 =	vpop (erf);
	v5 =	vsel vm0, $0x6, v5;
	v3 =	vsel vm9, v14, v3;
	vm10 =	vgt.f32 v12, v16  }
0x6f: {  	v9 =	vld.idx.msk [tilespmem:v9+s3+$0x0], $0xffff;
	v8 =	vmul.f32 v49, v8;
	v3 =	vsel vm7, v3, v50;
	vm8 =	vmneg vm10  }
0x70: {  	v5 =	vsel vm6, v5, v13;
	vm0 =	vgt.f32 v11, v3;
	v14 =	vsel vm8, v16, v12  }
0x71: {  	v13 =	vnsel vm6, $0x6, v13;
	vm11 =	vmand vm2, vm0;
	vm0 =	vgt.f32 v10, v14  }
0x72: {  	v5 =	vsel vm1, $0x7, v5;
	v3 =	vsel vm11, v11, v3;
	v11 =	vld.idx.msk [tilespmem:v15+s3+$0x0], $0xffff;
	vm0 =	vmneg vm0  }
0x73: {  	v5 =	vsel vm3, v5, v13;
	v3 =	vsel vm2, v3, v17;
	v15 =	vsel vm0, v14, v10  }
0x74: {  	v13 =	vnsel vm3, $0x7, v13;
	vm1 =	vgt.f32 v12, v3;
	vm12 =	vgt.f32 v9, v15  }
0x75: {  	v5 =	vsel vm9, $0x8, v5;
	vm13 =	vmand vm8, vm1;
	vm1 =	vmneg vm12  }
0x76: {  	v5 =	vsel vm7, v5, v13;
	v17 =	vld.idx.msk [tilespmem:v46+s3+$0x0], $0xffff;
	v3 =	vsel vm13, v12, v3;
	v12 =	vsel vm1, v15, v9  }
0x77: {  	s17 =	simm.s32 $0x20;
	v3 =	vsel vm8, v3, v16;
	vm3 =	vgt.f32 v11, v12;
	v16 =	vld.idx.msk [tilespmem:v2+s3+$0x0], $0xffff;
	v2 =	vsel vm11, $0x9, v5  }
0x78: {  	v5 =	vnsel vm7, $0x8, v13;
	v13 =	vmov s17;
	vm14 =	vgt.f32 v10, v3  }
0x79: {  	vm3 =	vmneg vm3;
	v2 =	vsel vm2, v2, v5;
	vm5 =	vmand vm0, vm14  }
0x7a: {  	v5 =	vnsel vm2, $0x9, v5;
	v51 =	vsel vm3, v12, v11;
	v3 =	vsel vm5, v10, v3  }
0x7b: {  	v13 =	vshll.u32 v13, $0x7;
	vm15 =	vgt.f32 v17, v51;
	v3 =	vsel vm0, v3, v14  }
0x7c: {  	v2 =	vsel vm13, $0xA, v2;
	vm4 =	vmneg vm15;
	vm9 =	vgt.f32 v9, v3  }
0x7d: {  	v2 =	vsel vm8, v2, v5;
	v10 =	vsel vm4, v51, v17;
	vm6 =	vmand vm1, vm9  }
0x7e: {  	s16 =	simm.s32 $0x30;
	v2 =	vsel vm5, $0xB, v2;
	vm2 =	vgt.f32 v16, v10;
	v3 =	vsel vm6, v9, v3  }
0x7f: {  	v9 =	vnsel vm8, $0xA, v5;
	v5 =	vmov s16;
	v3 =	vsel vm1, v3, v15  }
0x80: {  	vm2 =	vmneg vm2;
	v5 =	vshll.u32 v5, $0x7;
	vm10 =	vgt.f32 v11, v3  }
0x81: {  	v14 =	vsel vm0, v2, v9;
	v2 =	vsel vm2, v10, v16;
	vm5 =	vmand vm3, vm10  }
0x82: {  	v9 =	vnsel vm0, $0xB, v9;
	v3 =	vsel vm5, v11, v3;
	v11 =	vor.u32 v0, v5  }
0x83: {  	v5 =	vor.u32 v0, v13;
	v13 =	vsel vm6, $0xC, v14;
	v3 =	vsel vm3, v3, v12  }
0x84: {  	v12 =	vor.u32 $0x1, v11;
	v13 =	vsel vm1, v13, v9;
	v14 =	vor.u32 $0x1, v5  }
0x85: {  	v9 =	vnsel vm1, $0xC, v9;
	v53 =	vor.u32 $0x2, v11;
	v55 =	vor.u32 $0x4, v11  }
0x86: {  	v59 =	vor.u32 $0x6, v11;
	v63 =	vor.u32 $0x7, v11;
	vm11 =	vgt.f32 v17, v3  }
0x87: {  	v31 =	vor.u32 $0x8, v11;
	v34 =	vor.u32 $0x9, v11;
	vm0 =	vmand vm4, vm11  }
0x88: {  	v39 =	vor.u32 $0xA, v11;
	v42 =	vor.u32 $0xB, v11;
	v3 =	vsel vm0, v17, v3  }
0x89: {  	v45 =	vor.u32 $0xC, v11;
	v13 =	vsel vm5, $0xD, v13;
	v3 =	vsel vm4, v3, v51;
	v15 =	vld.idx.msk [tilespmem:v11+s3+$0x0], $0xffff  }
0x8a: {  	v48 =	vor.u32 $0xD, v11;
	v13 =	vsel vm3, v13, v9;
	v52 =	vld.idx.msk [tilespmem:v5+s3+$0x0], $0xffff;
	vm1 =	vgt.f32 v16, v3  }
0x8b: {  	v17 =	vnsel vm3, $0xD, v9;
	v13 =	vsel vm0, $0xE, v13;
	v12 =	vld.idx.msk [tilespmem:v12+s3+$0x0], $0xffff;
	vm1 =	vmand vm2, vm1  }
0x8c: {  	v54 =	vnsel vm4, $0xE, v17;
	v13 =	vsel vm4, v13, v17;
	v3 =	vsel vm1, v16, v3  }
0x8d: {  	v9 =	vnsel vm2, $0xF, v54;
	v16 =	vor.u32 $0x2, v5;
	v3 =	vsel vm2, v3, v10  }
0x8e: {  	v14 =	vld.idx.msk [tilespmem:v14+s3+$0x0], $0xffff;
	v10 =	vsel vm1, $0xF, v13;
	v13 =	vor.u32 $0x3, v11;
	vm0 =	vgt.f32 v15, $-Inf  }
0x8f: {  	v17 =	vld.idx.msk [tilespmem:v53+s3+$0x0], $0xffff;
	v10 =	vsel vm2, v10, v54;
	vm1 =	vgt.f32 v52, $-Inf;
	v15 =	vnsel vm0, $0xFF800000, v15  }
0x90: {  	vm0 =	vlt.f32 v12, $-Inf;
	vm2 =	vgt.f32 v12, $-Inf;
	vm3 =	vgt.f32 v12, v15  }
0x91: {  	v18 =	vnsel vm1, $0xFF800000, v52;
	vm2 =	vmor vm2, vm0;
	vm1 =	vmneg vm3  }
0x92: {  	v27 =	vor.u32 $0xA, v5;
	v43 =	vld.idx.msk [tilespmem:v39+s3+$0x0], $0xffff;
	v39 =	vor.u32 $0xC, v5;
	vm5 =	vmand vm2, vm1  }
0x93: {  	vm12 =	vlt.f32 v14, $-Inf;
	v56 =	vld.idx.msk [tilespmem:v13+s3+$0x0], $0xffff;
	v57 =	vsel vm1, v15, v12;
	v13 =	vnsel vm5, $0xFF800000, v12  }
0x94: {  	vm14 =	vgt.f32 v14, $-Inf;
	v13 =	vsel vm1, v13, v15;
	vm1 =	vgt.f32 v17, v57  }
0x95: {  	vm0 =	vgt.f32 v14, v18;
	vm2 =	vmneg vm1;
	vm1 =	vgt.f32 v17, v13  }
0x96: {  	vm4 =	vmor vm14, vm12;
	v12 =	vld.idx.msk [tilespmem:v16+s3+$0x0], $0xffff;
	v15 =	vor.u32 $0x5, v11;
	vm7 =	vmand vm2, vm1  }
0x97: {  	vm13 =	vmneg vm0;
	v16 =	vld.idx.msk [tilespmem:v55+s3+$0x0], $0xffff;
	v13 =	vsel vm7, v17, v13;
	v17 =	vsel vm2, v57, v17  }
0x98: {  	v29 =	vsel vm3, $0x1, v1;
	v21 =	vsel vm2, v13, v57;
	vm1 =	vgt.f32 v56, v17  }
0x99: {  	vm15 =	vmand vm4, vm13;
	vm4 =	vmneg vm1;
	vm1 =	vgt.f32 v56, v21  }
0x9a: {  	v58 =	vnsel vm15, $0xFF800000, v14;
	v62 =	vsel vm15, $0x1, v1;
	vm8 =	vmand vm4, vm1  }
0x9b: {  	v30 =	vsel vm5, $0x1, v1;
	v15 =	vld.idx.msk [tilespmem:v15+s3+$0x0], $0xffff;
	v61 =	vsel vm4, v17, v56;
	v60 =	vsel vm8, v56, v21  }
0x9c: {  	v13 =	vsel vm13, v18, v14;
	vm12 =	vgt.f32 v16, v61;
	v17 =	vsel vm4, v60, v17  }
0x9d: {  	v14 =	vsel vm13, v58, v18;
	vm6 =	vmneg vm12;
	vm13 =	vgt.f32 v16, v17  }
0x9e: {  	v33 =	vnsel vm2, $0x2, v29;
	v22 =	vsel vm7, $0x2, v30;
	vm9 =	vmand vm6, vm13  }
0x9f: {  	v28 =	vld.idx.msk [tilespmem:v59+s3+$0x0], $0xffff;
	vm14 =	vgt.f32 v12, v14;
	v17 =	vsel vm9, v16, v17;
	v16 =	vsel vm6, v61, v16  }
0xa0: {  	vm1 =	vgt.f32 v12, v13;
	v17 =	vsel vm6, v17, v61;
	vm3 =	vgt.f32 v15, v16  }
0xa1: {  	vm1 =	vmneg vm1;
	vm3 =	vmneg vm3;
	vm12 =	vgt.f32 v15, v17  }
0xa2: {  	v36 =	vnsel vm4, $0x3, v33;
	vm15 =	vmand vm1, vm14;
	vm13 =	vmand vm3, vm12  }
0xa3: {  	v20 =	vld.idx.msk [tilespmem:v63+s3+$0x0], $0xffff;
	v37 =	vnsel vm6, $0x4, v36;
	v32 =	vsel vm3, v16, v15;
	v17 =	vsel vm13, v15, v17  }
0xa4: {  	vm14 =	vgt.f32 v28, v32;
	v15 =	vsel vm15, v12, v14;
	v16 =	vsel vm3, v17, v16  }
0xa5: {  	v14 =	vsel vm15, $0x2, v62;
	vm5 =	vmneg vm14;
	vm15 =	vgt.f32 v28, v16  }
0xa6: {  	v40 =	vnsel vm3, $0x5, v37;
	v17 =	vsel vm2, v22, v29;
	vm2 =	vmand vm5, vm15  }
0xa7: {  	v35 =	vld.idx.msk [tilespmem:v31+s3+$0x0], $0xffff;
	v17 =	vsel vm8, $0x3, v17;
	v21 =	vsel vm5, v32, v28;
	v16 =	vsel vm2, v28, v16  }
0xa8: {  	v17 =	vsel vm4, v17, v33;
	vm8 =	vgt.f32 v20, v21;
	v16 =	vsel vm5, v16, v32  }
0xa9: {  	v17 =	vsel vm9, $0x4, v17;
	vm4 =	vmneg vm8;
	vm9 =	vgt.f32 v20, v16  }
0xaa: {  	v41 =	vnsel vm5, $0x6, v40;
	v17 =	vsel vm6, v17, v36;
	vm6 =	vmand vm4, vm9  }
0xab: {  	v19 =	vld.idx.msk [tilespmem:v34+s3+$0x0], $0xffff;
	v17 =	vsel vm13, $0x5, v17;
	v16 =	vsel vm6, v20, v16;
	v20 =	vsel vm4, v21, v20  }
0xac: {  	v17 =	vsel vm3, v17, v37;
	vm3 =	vgt.f32 v35, v20;
	v16 =	vsel vm4, v16, v21  }
0xad: {  	v17 =	vsel vm2, $0x6, v17;
	vm3 =	vmneg vm3;
	vm2 =	vgt.f32 v35, v16  }
0xae: {  	v44 =	vnsel vm4, $0x7, v41;
	v17 =	vsel vm5, v17, v40;
	vm2 =	vmand vm3, vm2  }
0xaf: {  	v17 =	vsel vm6, $0x7, v17;
	v22 =	vsel vm3, v20, v35;
	v16 =	vsel vm2, v35, v16  }
0xb0: {  	v17 =	vsel vm4, v17, v41;
	vm10 =	vgt.f32 v19, v22;
	v16 =	vsel vm3, v16, v20  }
0xb1: {  	v17 =	vsel vm2, $0x8, v17;
	vm4 =	vmneg vm10;
	vm2 =	vgt.f32 v19, v16  }
0xb2: {  	v52 =	vor.u32 $0xE, v11;
	v58 =	vor.u32 $0x3, v5;
	vm2 =	vmand vm4, vm2  }
0xb3: {  	v21 =	vld.idx.msk [tilespmem:v42+s3+$0x0], $0xffff;
	v17 =	vsel vm3, v17, v44;
	v47 =	vsel vm4, v22, v19;
	v16 =	vsel vm2, v19, v16  }
0xb4: {  	v17 =	vsel vm2, $0x9, v17;
	vm2 =	vgt.f32 v43, v47;
	v16 =	vsel vm4, v16, v22  }
0xb5: {  	v46 =	vnsel vm3, $0x8, v44;
	vm2 =	vmneg vm2;
	vm3 =	vgt.f32 v43, v16  }
0xb6: {  	v50 =	vnsel vm4, $0x9, v46;
	v17 =	vsel vm4, v17, v46;
	vm3 =	vmand vm2, vm3  }
0xb7: {  	v18 =	vld.idx.msk [tilespmem:v45+s3+$0x0], $0xffff;
	v51 =	vsel vm2, v47, v43;
	v26 =	vnsel vm2, $0xA, v50;
	v16 =	vsel vm3, v43, v16  }
0xb8: {  	v17 =	vsel vm3, $0xA, v17;
	vm3 =	vgt.f32 v21, v51;
	v16 =	vsel vm2, v16, v47  }
0xb9: {  	v53 =	vld.idx.msk [tilespmem:v4+s7+$0x0], $0xffff;
	vm3 =	vmneg vm3;
	v17 =	vsel vm2, v17, v50;
	vm2 =	vgt.f32 v21, v16  }
0xba: {  	v22 =	vmul.f32 v49, v7;
	v54 =	vsel vm3, v51, v21;
	vm2 =	vmand vm3, vm2  }
0xbb: {  	v19 =	vld.idx.msk [tilespmem:v48+s3+$0x0], $0xffff;
	v56 =	vnsel vm3, $0xB, v26;
	v7 =	vsel vm2, v21, v16;
	v16 =	vsel vm2, $0xB, v17  }
0xbc: {  	vm2 =	vgt.f32 v18, v54;
	v17 =	vor.u32 $0xF, v11;
	v11 =	vsel vm3, v7, v51  }
0xbd: {  	vm2 =	vmneg vm2;
	v16 =	vsel vm3, v16, v26;
	vm3 =	vgt.f32 v18, v11  }
0xbe: {  	v61 =	vor.u32 $0x4, v5;
	v7 =	vmul.f32 v8, v53;
	vm3 =	vmand vm2, vm3  }
0xbf: {  	v8 =	vld.idx.msk [tilespmem:v52+s3+$0x0], $0xffff;
	v57 =	vsel vm2, v54, v18;
	v21 =	vnsel vm2, $0xC, v56;
	v11 =	vsel vm3, v18, v11  }
0xc0: {  	v16 =	vsel vm3, $0xC, v16;
	vm3 =	vgt.f32 v19, v57;
	v59 =	vsel vm2, v11, v54  }
0xc1: {  	vm3 =	vmneg vm3;
	v16 =	vsel vm2, v16, v56;
	vm2 =	vgt.f32 v19, v59  }
0xc2: {  	v62 =	vor.u32 $0x5, v5;
	v12 =	vsel vm1, v13, v12;
	vm2 =	vmand vm3, vm2  }
0xc3: {  	v15 =	vsel vm1, v15, v13;
	v17 =	vld.idx.msk [tilespmem:v17+s3+$0x0], $0xffff;
	v60 =	vsel vm3, v57, v19;
	v19 =	vsel vm2, v19, v59  }
0xc4: {  	v16 =	vsel vm2, $0xD, v16;
	vm2 =	vgt.f32 v8, v60;
	v19 =	vsel vm3, v19, v57  }
0xc5: {  	v13 =	vsel vm0, $0x1, v1;
	vm11 =	vmneg vm2;
	vm2 =	vgt.f32 v8, v19  }
0xc6: {  	v14 =	vsel vm1, v14, v13;
	v32 =	vor.u32 $0x6, v5;
	v18 =	vld.idx.msk [tilespmem:v58+s3+$0x0], $0xffff;
	vm2 =	vmand vm11, vm2  }
0xc7: {  	v16 =	vsel vm3, v16, v21;
	v63 =	vsel vm11, v60, v8;
	v8 =	vsel vm2, v8, v19  }
0xc8: {  	v16 =	vsel vm2, $0xE, v16;
	vm2 =	vgt.f32 v17, v63;
	v8 =	vsel vm11, v8, v60  }
0xc9: {  	v21 =	vnsel vm3, $0xD, v21;
	vm2 =	vmneg vm2;
	vm3 =	vgt.f32 v17, v8  }
0xca: {  	v34 =	vld.idx.msk [tilespmem:v61+s3+$0x0], $0xffff;
	v36 =	vor.u32 $0x8, v5;
	v16 =	vsel vm11, v16, v21;
	vm3 =	vmand vm2, vm3  }
0xcb: {  	v8 =	vsel vm3, v17, v8;
	v16 =	vsel vm3, $0xF, v16;
	vm3 =	vgt.f32 v18, v12  }
0xcc: {  	v37 =	vor.u32 $0x9, v5;
	vm12 =	vgt.f32 v18, v15;
	vm0 =	vmneg vm3  }
0xcd: {  	v35 =	vor.u32 $0x7, v5;
	v33 =	vnsel vm11, $0xE, v21;
	vm3 =	vmand vm0, vm12  }
0xce: {  	v23 =	vld.idx.msk [tilespmem:v62+s3+$0x0], $0xffff;
	v28 =	vsel vm2, v8, v63;
	v15 =	vsel vm3, v18, v15;
	v18 =	vsel vm0, v12, v18  }
0xcf: {  	v14 =	vsel vm3, $0x3, v14;
	v12 =	vsel vm0, v15, v12;
	vm3 =	vgt.f32 v34, v18  }
0xd0: {  	v15 =	vnsel vm1, $0x2, v13;
	vm13 =	vgt.f32 v34, v12;
	vm1 =	vmneg vm3  }
0xd1: {  	v8 =	vsel vm2, v63, v17;
	v13 =	vnsel vm2, $0xF, v33;
	vm3 =	vmand vm1, vm13  }
0xd2: {  	v17 =	vld.idx.msk [tilespmem:v32+s3+$0x0], $0xffff;
	v14 =	vsel vm0, v14, v15;
	v38 =	vsel vm1, v18, v34;
	v12 =	vsel vm3, v34, v12  }
0xd3: {  	v18 =	vsel vm1, v12, v18;
	v12 =	vsel vm2, v16, v33;
	vm2 =	vgt.f32 v23, v38  }
0xd4: {  	v14 =	vsel vm3, $0x4, v14;
	vm2 =	vmneg vm2;
	vm3 =	vgt.f32 v23, v18  }
0xd5: {  	v42 =	vor.u32 $0xD, v5;
	v49 =	vor.u32 $0xE, v5;
	vm3 =	vmand vm2, vm3  }
0xd6: {  	v40 =	vld.idx.msk [tilespmem:v35+s3+$0x0], $0xffff;
	v15 =	vnsel vm0, $0x3, v15;
	v41 =	vsel vm2, v38, v23;
	v18 =	vsel vm3, v23, v18  }
0xd7: {  	v14 =	vsel vm1, v14, v15;
	vm0 =	vgt.f32 v17, v41;
	v18 =	vsel vm2, v18, v38  }
0xd8: {  	v14 =	vsel vm3, $0x5, v14;
	vm0 =	vmneg vm0;
	vm3 =	vgt.f32 v17, v18  }
0xd9: {  	v43 =	vadd.f32 v3, v2;
	v46 =	vadd.f32 v28, v8;
	vm3 =	vmand vm0, vm3  }
0xda: {  	v44 =	vld.idx.msk [tilespmem:v36+s3+$0x0], $0xffff;
	v15 =	vnsel vm1, $0x4, v15;
	v45 =	vsel vm0, v41, v17;
	v17 =	vsel vm3, v17, v18  }
0xdb: {  	v14 =	vsel vm2, v14, v15;
	vm1 =	vgt.f32 v40, v45;
	v17 =	vsel vm0, v17, v41  }
0xdc: {  	v55 =	vld.idx.msk [tilespmem:v6+s7+$0x0], $0xffff;
	vm1 =	vmneg vm1;
	v14 =	vsel vm3, $0x6, v14;
	vm3 =	vgt.f32 v40, v17  }
0xdd: {  	(erf) = vrcp.f32 v43;
	v52 =	vor.u32 $0xF, v5;
	vm3 =	vmand vm1, vm3  }
0xde: {  	v47 =	vld.idx.msk [tilespmem:v37+s3+$0x0], $0xffff;
	(erf) = vrcp.f32 v46;
	v48 =	vsel vm1, v45, v40;
	v17 =	vsel vm3, v40, v17  }
0xdf: {  	v15 =	vnsel vm2, $0x5, v15;
	vm2 =	vgt.f32 v44, v48;
	v17 =	vsel vm1, v17, v45  }
0xe0: {  	v16 =	vor.u32 $0xB, v5;
	vm14 =	vmneg vm2;
	vm2 =	vgt.f32 v44, v17  }
0xe1: {  	v11 =	vmul.f32 v22, v55;
	v14 =	vsel vm0, v14, v15;
	vm2 =	vmand vm14, vm2  }
0xe2: {  	v50 =	vld.idx.msk [tilespmem:v27+s3+$0x0], $0xffff;
	v15 =	vnsel vm0, $0x6, v15;
	v51 =	vsel vm14, v48, v44;
	v17 =	vsel vm2, v44, v17  }
0xe3: {  	v5 =	vnsel vm1, $0x7, v15;
	vm0 =	vgt.f32 v47, v51;
	v17 =	vsel vm14, v17, v48  }
0xe4: {  	v14 =	vsel vm3, $0x7, v14;
	vm3 =	vmneg vm0;
	vm0 =	vgt.f32 v47, v17  }
0xe5: {  	v16 =	vld.idx.msk [tilespmem:v16+s3+$0x0], $0xffff;
	v55 =	vnsel vm14, $0x8, v5;
	v14 =	vsel vm1, v14, v15;
	vm0 =	vmand vm3, vm0  }
0xe6: {  	v53 =	vsel vm3, v51, v47;
	v14 =	vsel vm2, $0x8, v14;
	v15 =	vsel vm0, v47, v17  }
0xe7: {  	vm1 =	vgt.f32 v50, v53;
	v14 =	vsel vm14, v14, v5;
	v15 =	vsel vm3, v15, v51  }
0xe8: {  	vm2 =	vmneg vm1;
	v5 =	vpop (erf);
	v17 =	vld.idx.msk [tilespmem:v39+s3+$0x0], $0xffff;
	v14 =	vsel vm0, $0x9, v14;
	vm0 =	vgt.f32 v50, v15  }
0xe9: {  	v20 =	vnsel vm3, $0x9, v55;
	v54 =	vsel vm2, v53, v50;
	v58 =	vpop (erf);
	vm15 =	vmand vm2, vm0  }
0xea: {  	s14 =	sand.u32 $0x200, s3;
	vm1 =	vgt.f32 v16, v54;
	v59 =	vmul.f32 v58, v8;
	v15 =	vsel vm15, v50, v15  }
0xeb: {  	s15 =	sor.u32 $0x8080, s14;
	s24 =	sand.u32 $0x70, s13;
	v19 =	vld.idx.msk [tilespmem:v42+s3+$0x0], $0xffff;
	v60 =	vmul.f32 v58, v28;
	vm0 =	vmneg vm1;
	v15 =	vsel vm2, v15, v53  }
0xec: {  	s14 =	sor.u32 s24, s15;
	v57 =	vld.idx.msk [tilespmem:v13+s7+$0x0], $0xffff;
	v14 =	vsel vm3, v14, v55;
	v56 =	vsel vm0, v54, v16;
	vm3 =	vgt.f32 v16, v15  }
0xed: {  	[tilespmem:s14+$0x0] =	vst v4;
	v14 =	vsel vm15, $0xA, v14;
	vm1 =	vgt.f32 v17, v56;
	vm3 =	vmand vm0, vm3  }
0xee: {  	[tilespmem:s14+$0x80] =	vst v6;
	v8 =	vld.idx.msk [tilespmem:v49+s3+$0x0], $0xffff;
	v14 =	vsel vm2, v14, v20;
	vm1 =	vmneg vm1;
	v15 =	vsel vm3, v16, v15  }
0xef: {  	[tilespmem:s14+$0x100] =	vst v7;
	s14 =	simm.s32 $0x80;
	v61 =	vsel vm1, v56, v17;
	v16 =	vnsel vm2, $0xA, v20;
	v15 =	vsel vm0, v15, v54  }
0xf0: {  	s25 =	sand.u32 $0x200, s14;
	v7 =	vld.idx.msk [tilespmem:v52+s3+$0x0], $0xffff;
	vm2 =	vgt.f32 v19, v61;
	v6 =	vsel vm3, $0xB, v14;
	vm3 =	vgt.f32 v17, v15  }
0xf1: {  	s28 =	sand.u32 $0x70, s16;
	s26 =	sor.u32 $0x8080, s25;
	v63 =	vld.idx.msk [tilespmem:v12+s7+$0x0], $0xffff;
	v62 =	vmul.f32 v59, v57;
	vm2 =	vmneg vm2;
	vm3 =	vmand vm1, vm3  }
0xf2: {  	s18 =	sand.u32 $0x60, s3;
	s13 =	sor.u32 s13, s3;
	s29 =	sor.u32 s28, s26;
	v14 =	vsel vm2, v61, v19;
	v15 =	vsel vm3, v17, v15;
	v17 =	vsel vm0, v6, v16  }
0xf3: {  	s19 =	sor.u32 $0x180, s13;
	s13 =	sor.u32 s18, s15;
	v4 =	vld.idx.msk [tilespmem:v9+s7+$0x0], $0xffff;
	[tilespmem:s29+$0x0] =	vst v13;
	v16 =	vnsel vm0, $0xB, v16;
	vm0 =	vgt.f32 v8, v14;
	v15 =	vsel vm1, v15, v56  }
0xf4: {  	v6 =	vld.idx.msk [tilespmem:v10+s7+$0x0], $0xffff;
	[tilespmem:s13+$0x0] =	vst v9;
	vm0 =	vmneg vm0;
	v9 =	vsel vm3, $0xC, v17;
	v13 =	vnsel vm1, $0xC, v16  }
0xf5: {  	[tilespmem:s19+$0x8080] =	vst v11;
	vm3 =	vgt.f32 v19, v15;
	v11 =	vsel vm0, v14, v8;
	v9 =	vsel vm1, v9, v16  }
0xf6: {  	s30 =	sor.u32 s3, s3;
	[tilespmem:s29+$0x80] =	vst v12;
	v16 =	vmul.f32 v60, v63;
	vm3 =	vmand vm2, vm3;
	vm1 =	vgt.f32 v7, v11  }
0xf7: {  	s21 =	sand.u32 $0x60, s17;
	s15 =	sor.u32 $0x180, s30;
	s20 =	sor.u32 s16, s14;
	[tilespmem:s29+$0x100] =	vst v62;
	v12 =	vnsel vm2, $0xD, v13;
	v15 =	vsel vm3, v19, v15;
	vm1 =	vmneg vm1  }
0xf8: {  	s16 =	simm.s32 $0x2;
	s17 =	sor.u32 s17, s14;
	s31 =	sor.u32 $0x180, s20;
	[tilespmem:s13+$0x80] =	vst v10;
	v9 =	vsel vm3, $0xD, v9;
	v10 =	vsel vm1, v11, v7;
	v15 =	vsel vm2, v15, v61  }
0xf9: {  	s20 =	sor.u32 $0x180, s17;
	s17 =	simm.s32 $0x40;
	s21 =	sor.u32 s21, s26;
	[tilespmem:s31+$0x8080] =	vst v16;
	v13 =	vsel vm2, v9, v13;
	v9 =	vnsel vm0, $0xE, v12;
	vm2 =	vgt.f32 v8, v15  }
.LBB2_2:
0xfa: {  	v16 =	vmov s17;
	vm2 =	vmand vm0, vm2;
	v20 =	vnsel vm1, $0xF, v9  }
0xfb: {  	v57 =	vimm.s32 $0x0;
	v61 =	vimm.s32 $0x0;
	v62 =	vimm.s32 $0x0  }
0xfc: {  	s18 =	sadd.s32 $0x10, s17;
	v40 =	vimm.s32 $0x0;
	v47 =	vimm.s32 $0x0;
	v48 =	vimm.s32 $0x0  }
0xfd: {  	v16 =	vshll.u32 v16, $0x7;
	v17 =	vmov s18;
	v8 =	vsel vm2, v8, v15  }
0xfe: {  	v13 =	vsel vm2, $0xE, v13;
	v15 =	vor.u32 v0, v16;
	v16 =	vshll.u32 v17, $0x7  }
0xff: {  	v8 =	vsel vm0, v8, v14;
	v12 =	vsel vm0, v13, v12;
	v14 =	vor.u32 $0x1, v15  }
0x100: {  	v17 =	vor.u32 $0x2, v15;
	v19 =	vor.u32 v0, v16;
	v16 =	vor.u32 $0x3, v15  }
0x101: {  	v18 =	vor.u32 $0x4, v15;
	v22 =	vor.u32 $0x5, v15;
	v23 =	vor.u32 $0x6, v15  }
0x102: {  	v24 =	vor.u32 $0x7, v15;
	v26 =	vor.u32 $0x8, v15;
	v27 =	vor.u32 $0x9, v15  }
0x103: {  	v28 =	vor.u32 $0xA, v15;
	v30 =	vor.u32 $0xB, v15;
	v31 =	vor.u32 $0xC, v15  }
0x104: {  	v32 =	vor.u32 $0xD, v15;
	v33 =	vor.u32 $0xE, v15;
	vm3 =	vgt.f32 v7, v8  }
0x105: {  	v34 =	vor.u32 $0xF, v15;
	v21 =	vor.u32 $0x1, v19;
	vm2 =	vmand vm1, vm3;
	v25 =	vld.idx.msk [tilespmem:v20+s7+$0x0], $0xffff  }
0x106: {  	v60 =	vor.u32 $0x6, v19;
	v41 =	vor.u32 $0x9, v19;
	v46 =	vor.u32 $0xA, v19;
	v29 =	vld.idx.msk [tilespmem:v15+s3+$0x0], $0xffff  }
0x107: {  	v51 =	vor.u32 $0xB, v19;
	v52 =	vor.u32 $0xE, v19;
	v53 =	vor.u32 $0xF, v19;
	v15 =	vld.idx.msk [tilespmem:v19+s3+$0x0], $0xffff  }
0x108: {  	v7 =	vsel vm2, v7, v8;
	v8 =	vmul.f32 v5, v2;
	v12 =	vsel vm2, $0xF, v12;
	v35 =	vld.idx.msk [tilespmem:v14+s3+$0x0], $0xffff  }
0x109: {  	v5 =	vmul.f32 v5, v3;
	v2 =	vmovc v10;
	v3 =	vsel vm1, v7, v11;
	v14 =	vor.u32 $0x2, v19;
	v37 =	vld.idx.msk [tilespmem:v17+s3+$0x0], $0xffff  }
0x10a: {  	v38 =	vsel vm1, v12, v9;
	v7 =	vadd.f32 v3, v2;
	v8 =	vmul.f32 v8, v4;
	v36 =	vld.idx.msk [tilespmem:v21+s3+$0x0], $0xffff  }
0x10b: {  	v9 =	vor.u32 $0x3, v19;
	v5 =	vmul.f32 v5, v6;
	v54 =	vld.idx.msk [tilespmem:v16+s3+$0x0], $0xffff;
	vm0 =	vgt.f32 v29, $-Inf  }
0x10c: {  	v18 =	vld.idx.msk [tilespmem:v18+s3+$0x0], $0xffff;
	(erf) = vrcp.f32 v7;
	[tilespmem:s13+$0x100] =	vst v8;
	v7 =	vimm.s32 $0x0;
	v6 =	vnsel vm0, $0xFF800000, v29  }
0x10d: {  	v8 =	vimm.s32 $0x0;
	v17 =	vld.idx.msk [tilespmem:v22+s3+$0x0], $0xffff;
	[tilespmem:s15+$0x8080] =	vst v5;
	v5 =	vor.u32 $0x4, v19;
	vm4 =	vgt.f32 v35, v6  }
0x10e: {  	vm0 =	vgt.f32 v15, $-Inf;
	v10 =	vld.idx.msk [tilespmem:v14+s3+$0x0], $0xffff;
	vm1 =	vlt.f32 v35, $-Inf;
	v7 =	vsel vm4, $0xFFFFFFFF, v7  }
0x10f: {  	vm2 =	vgt.f32 v36, $-Inf;
	[tilespmem:$0x1FFC0] =	vst v7;
	v7 =	vnsel vm0, $0xFF800000, v15;
	vm0 =	vlt.f32 v36, $-Inf  }
0x110: {  	vm5 =	vgt.f32 v36, v7;
	vm0 =	vmor vm2, vm0;
	vm2 =	vmneg vm4  }
0x111: {  	v16 =	vld.idx.msk [tilespmem:v23+s3+$0x0], $0xffff;
	vm14 =	vgt.f32 v35, $-Inf;
	vm3 =	vmneg vm5;
	v56 =	vsel vm2, v6, v35  }
0x112: {  	v55 =	vld.idx.msk [tilespmem:v9+s3+$0x0], $0xffff;
	vm6 =	vmand vm0, vm3;
	vm0 =	vmor vm14, vm1;
	v9 =	vsel vm3, v7, v36  }
0x113: {  	v13 =	vld.idx.msk [tilespmem:v27+s3+$0x0], $0xffff;
	v8 =	vsel vm6, $0xFFFFFFFF, v8;
	vm0 =	vmand vm0, vm2;
	vm1 =	vgt.f32 v10, v9  }
0x114: {  	v12 =	vld.idx.msk [tilespmem:v28+s3+$0x0], $0xffff;
	[tilespmem:$0x1FF70] =	vst v8;
	v8 =	vnsel vm6, $0xFF800000, v36;
	vm8 =	vmneg vm1;
	v11 =	vnsel vm0, $0xFF800000, v35  }
0x115: {  	v14 =	vld.idx.msk [tilespmem:v26+s3+$0x0], $0xffff;
	v35 =	vor.u32 $0x7, v19;
	v39 =	vsel vm0, $0x1, v1;
	v7 =	vsel vm3, v8, v7  }
0x116: {  	v58 =	vld.idx.msk [tilespmem:v5+s3+$0x0], $0xffff;
	v8 =	vor.u32 $0x5, v19;
	v59 =	vsel vm8, v9, v10;
	vm1 =	vgt.f32 v10, v7  }
0x117: {  	v15 =	vld.idx.msk [tilespmem:v24+s3+$0x0], $0xffff;
	v6 =	vsel vm2, v11, v6;
	vm2 =	vgt.f32 v55, v59;
	vm1 =	vmand vm8, vm1  }
0x118: {  	v11 =	vld.idx.msk [tilespmem:v30+s3+$0x0], $0xffff;
	vm9 =	vmneg vm2;
	v24 =	vsel vm1, $0xFFFFFFFF, v57;
	v7 =	vsel vm1, v10, v7  }
0x119: {  	vm1 =	vgt.f32 v37, v56;
	v10 =	vld.idx.msk [tilespmem:v31+s3+$0x0], $0xffff;
	v22 =	vsel vm9, v59, v55;
	v7 =	vsel vm8, v7, v9  }
0x11a: {  	v9 =	vld.idx.msk [tilespmem:v32+s3+$0x0], $0xffff;
	vm3 =	vmneg vm1;
	vm1 =	vgt.f32 v37, v6;
	vm2 =	vgt.f32 v55, v7  }
0x11b: {  	v27 =	vsel vm3, $0xFFFFFFFF, v61;
	v63 =	vld.idx.msk [tilespmem:v8+s3+$0x0], $0xffff;
	vm1 =	vmand vm3, vm1;
	v23 =	vsel vm3, v56, v37  }
0x11c: {  	v4 =	vmovc v25;
	v8 =	vld.idx.msk [tilespmem:v33+s3+$0x0], $0xffff;
	vm2 =	vmand vm9, vm2;
	v33 =	vsel vm1, v37, v6;
	v37 =	vimm.s32 $0x0  }
0x11d: {  	s13 =	smov.u32 s21;
	[tilespmem:$0x1FFD0] =	vst v27;
	v6 =	vld.idx.msk [tilespmem:v38+s7+$0x0], $0xffff;
	v27 =	vsel vm2, $0xFFFFFFFF, v62;
	v32 =	vsel vm2, v55, v7;
	vm2 =	vgt.f32 v58, v22  }
0x11e: {  	v7 =	vld.idx.msk [tilespmem:v34+s3+$0x0], $0xffff;
	v36 =	vsel vm3, v33, v56;
	[tilespmem:s13+$0x80] =	vst v38;
	v38 =	vor.u32 $0x8, v19;
	v25 =	vsel vm9, v32, v59  }
0x11f: {  	v55 =	vsel vm5, $0x1, v1;
	vm11 =	vmneg vm2;
	vm2 =	vgt.f32 v58, v25  }
0x120: {  	[tilespmem:$0x1FF80] =	vst v24;
	v57 =	vnsel vm8, $0x2, v55;
	v24 =	vsel vm11, v22, v58;
	vm3 =	vmand vm11, vm2  }
0x121: {  	v26 =	vld.idx.msk [tilespmem:v60+s3+$0x0], $0xffff;
	vm2 =	vgt.f32 v54, v23;
	vm15 =	vgt.f32 v63, v24;
	v25 =	vsel vm3, v58, v25  }
0x122: {  	v29 =	vsel vm3, $0xFFFFFFFF, v37;
	vm3 =	vgt.f32 v54, v36;
	v22 =	vsel vm11, v25, v22  }
0x123: {  	vm13 =	vmneg vm15;
	vm12 =	vmneg vm2;
	vm10 =	vgt.f32 v63, v22  }
0x124: {  	v59 =	vnsel vm9, $0x3, v57;
	vm0 =	vmand vm12, vm3;
	vm14 =	vmand vm13, vm10  }
0x125: {  	v28 =	vld.idx.msk [tilespmem:v35+s3+$0x0], $0xffff;
	[tilespmem:$0x1FF90] =	vst v27;
	v27 =	vsel vm13, v24, v63;
	v30 =	vsel vm0, $0xFFFFFFFF, v40;
	v22 =	vsel vm14, v63, v22  }
0x126: {  	[tilespmem:s13+$0x0] =	vst v20;
	v20 =	vsel vm0, v54, v36;
	vm0 =	vgt.f32 v26, v27;
	v22 =	vsel vm13, v22, v24  }
0x127: {  	v62 =	vnsel vm11, $0x4, v59;
	vm15 =	vmneg vm0;
	vm0 =	vgt.f32 v26, v22  }
0x128: {  	v21 =	vsel vm12, v23, v54;
	v42 =	vsel vm12, v20, v23;
	vm10 =	vmand vm15, vm0  }
0x129: {  	v43 =	vld.idx.msk [tilespmem:v38+s3+$0x0], $0xffff;
	v45 =	vsel vm15, v27, v26;
	vm3 =	vgt.f32 v18, v42;
	v44 =	vsel vm10, v26, v22  }
0x12a: {  	vm2 =	vgt.f32 v28, v45;
	vm0 =	vgt.f32 v18, v21;
	v22 =	vsel vm15, v44, v27  }
0x12b: {  	vm2 =	vmneg vm2;
	vm0 =	vmneg vm0;
	vm4 =	vgt.f32 v28, v22  }
0x12c: {  	v27 =	vsel vm0, $0xFFFFFFFF, v47;
	vm0 =	vmand vm0, vm3;
	vm7 =	vmand vm2, vm4  }
0x12d: {  	v24 =	vld.idx.msk [tilespmem:v41+s3+$0x0], $0xffff;
	[tilespmem:$0x1FFB0] =	vst v27;
	v27 =	vsel vm0, $0xFFFFFFFF, v48;
	v49 =	vsel vm7, v28, v22;
	v28 =	vsel vm2, v45, v28  }
0x12e: {  	v56 =	vld [tilespmem:$0x1FF70];
	v50 =	vsel vm0, v18, v42;
	v25 =	vsel vm2, v49, v45;
	vm0 =	vgt.f32 v43, v28  }
0x12f: {  	v61 =	vld [tilespmem:$0x1FF90];
	v20 =	vsel vm1, $0x2, v39;
	vm1 =	vmneg vm0;
	vm0 =	vgt.f32 v43, v25  }
0x130: {  	v58 =	vld [tilespmem:$0x1FF80];
	v54 =	vor.u32 $0xD, v19;
	v19 =	vor.u32 $0xC, v19;
	vm6 =	vmand vm1, vm0  }
0x131: {  	v63 =	vnsel vm13, $0x5, v62;
	v26 =	vld.idx.msk [tilespmem:v46+s3+$0x0], $0xffff;
	v23 =	vsel vm1, v28, v43;
	v25 =	vsel vm6, v43, v25  }
0x132: {  	v37 =	vnsel vm15, $0x6, v63;
	vm0 =	vgt.f32 v24, v23;
	v25 =	vsel vm1, v25, v28  }
0x133: {  	[tilespmem:$0x1FFA0] =	vst v29;
	vm4 =	vnez.u8 v56;
	vm0 =	vmneg vm0;
	vm3 =	vgt.f32 v24, v25  }
0x134: {  	v36 =	vld [tilespmem:$0x1FFA0];
	v32 =	vsel vm4, $0x1, v1;
	vm4 =	vnez.u8 v61;
	vm5 =	vmand vm0, vm3  }
0x135: {  	[tilespmem:$0x1FFF0] =	vst v27;
	v27 =	vld.idx.msk [tilespmem:v51+s3+$0x0], $0xffff;
	vm3 =	vnez.u8 v58;
	v25 =	vsel vm5, v24, v25;
	v24 =	vsel vm0, v23, v24  }
0x136: {  	v32 =	vsel vm3, $0x2, v32;
	v23 =	vsel vm0, v25, v23;
	vm3 =	vgt.f32 v26, v24  }
0x137: {  	v60 =	vsel vm8, v32, v55;
	vm8 =	vmneg vm3;
	vm3 =	vgt.f32 v26, v23  }
0x138: {  	v38 =	vnsel vm2, $0x7, v37;
	v25 =	vsel vm4, $0x3, v60;
	vm4 =	vmand vm8, vm3  }
0x139: {  	v19 =	vld.idx.msk [tilespmem:v19+s3+$0x0], $0xffff;
	v25 =	vsel vm9, v25, v57;
	v23 =	vsel vm4, v26, v23;
	v26 =	vsel vm8, v24, v26  }
0x13a: {  	vm9 =	vnez.u8 v36;
	v23 =	vsel vm8, v23, v24;
	vm3 =	vgt.f32 v27, v26  }
0x13b: {  	v24 =	vsel vm9, $0x4, v25;
	vm9 =	vmneg vm3;
	vm3 =	vgt.f32 v27, v23  }
0x13c: {  	v39 =	vnsel vm1, $0x8, v38;
	v24 =	vsel vm11, v24, v59;
	vm3 =	vmand vm9, vm3  }
0x13d: {  	v31 =	vld.idx.msk [tilespmem:v54+s3+$0x0], $0xffff;
	v24 =	vsel vm14, $0x5, v24;
	v23 =	vsel vm3, v27, v23;
	v27 =	vsel vm9, v26, v27  }
0x13e: {  	v24 =	vsel vm13, v24, v62;
	v23 =	vsel vm9, v23, v26;
	vm14 =	vgt.f32 v19, v27  }
0x13f: {  	v24 =	vsel vm10, $0x6, v24;
	vm11 =	vmneg vm14;
	vm13 =	vgt.f32 v19, v23  }
0x140: {  	v41 =	vnsel vm0, $0x9, v39;
	v24 =	vsel vm15, v24, v63;
	vm10 =	vmand vm11, vm13  }
0x141: {  	v40 =	vld.idx.msk [tilespmem:v52+s3+$0x0], $0xffff;
	v24 =	vsel vm7, $0x7, v24;
	v23 =	vsel vm10, v19, v23;
	v19 =	vsel vm11, v27, v19  }
0x142: {  	v24 =	vsel vm2, v24, v37;
	v23 =	vsel vm11, v23, v27;
	vm15 =	vgt.f32 v31, v19  }
0x143: {  	v24 =	vsel vm6, $0x8, v24;
	vm2 =	vmneg vm15;
	vm13 =	vgt.f32 v31, v23  }
0x144: {  	v42 =	vld.idx.msk [tilespmem:v53+s3+$0x0], $0xffff;
	v45 =	vnsel vm8, $0xA, v41;
	v24 =	vsel vm1, v24, v38;
	vm14 =	vmand vm2, vm13  }
0x145: {  	v43 =	vsel vm2, v19, v31;
	v24 =	vsel vm5, $0x9, v24;
	v23 =	vsel vm14, v31, v23  }
0x146: {  	v47 =	vld [tilespmem:$0x1FFB0];
	vm1 =	vgt.f32 v40, v43;
	v44 =	vsel vm0, v24, v39;
	v24 =	vnsel vm9, $0xB, v45  }
0x147: {  	v19 =	vsel vm2, v23, v19;
	vm0 =	vmneg vm1;
	v23 =	vsel vm4, $0xA, v44  }
0x148: {  	vm1 =	vgt.f32 v40, v19;
	v23 =	vsel vm8, v23, v41;
	v46 =	vsel vm0, v43, v40  }
0x149: {  	vm15 =	vmand vm0, vm1;
	v23 =	vsel vm3, $0xB, v23;
	vm1 =	vgt.f32 v42, v46  }
0x14a: {  	v19 =	vsel vm15, v40, v19;
	v23 =	vsel vm9, v23, v45;
	vm1 =	vmneg vm1  }
0x14b: {  	vm9 =	vnez.u8 v47;
	v19 =	vsel vm0, v19, v43;
	v23 =	vsel vm10, $0xC, v23  }
0x14c: {  	v25 =	vsel vm1, v46, v42;
	v18 =	vsel vm9, v21, v18;
	v21 =	vsel vm9, v50, v21  }
0x14d: {  	[tilespmem:$0x1FFE0] =	vst v30;
	vm3 =	vgt.f32 v42, v19;
	v23 =	vsel vm11, v23, v24;
	v24 =	vnsel vm11, $0xC, v24  }
0x14e: {  	v54 =	vld [tilespmem:$0x1FFE0];
	vm3 =	vmand vm1, vm3;
	v23 =	vsel vm14, $0xD, v23;
	v49 =	vnsel vm2, $0xD, v24  }
0x14f: {  	v51 =	vld [tilespmem:$0x1FFC0];
	v19 =	vsel vm3, v42, v19;
	v23 =	vsel vm2, v23, v24;
	v22 =	vnsel vm0, $0xE, v49  }
0x150: {  	v53 =	vld [tilespmem:$0x1FFD0];
	vm2 =	vgt.f32 v17, v21;
	v19 =	vsel vm1, v19, v46;
	v23 =	vsel vm15, $0xE, v23  }
0x151: {  	v48 =	vadd.f32 v19, v25;
	v23 =	vsel vm0, v23, v49;
	vm0 =	vgt.f32 v17, v18  }
0x152: {  	v50 =	vnsel vm1, $0xF, v22;
	v23 =	vsel vm3, $0xF, v23;
	vm0 =	vmneg vm0  }
0x153: {  	v5 =	vpop (erf);
	v59 =	vld [tilespmem:$0x1FFF0];
	vm3 =	vnez.u8 v54;
	(erf) = vrcp.f32 v48;
	v22 =	vsel vm1, v23, v22  }
0x154: {  	vm1 =	vnez.u8 v51;
	vm5 =	vmand vm0, vm2;
	v52 =	vsel vm0, v18, v17  }
0x155: {  	vm2 =	vnez.u8 v53;
	v23 =	vsel vm1, $0x1, v1;
	v17 =	vsel vm5, v17, v21  }
0x156: {  	vm1 =	vgt.f32 v16, v52;
	v20 =	vsel vm2, v20, v23;
	v17 =	vsel vm0, v17, v18  }
0x157: {  	vm1 =	vmneg vm1;
	v55 =	vnsel vm2, $0x2, v23;
	v20 =	vsel vm3, $0x3, v20  }
0x158: {  	vm2 =	vgt.f32 v16, v17;
	v56 =	vsel vm1, v52, v16;
	vm3 =	vnez.u8 v59  }
0x159: {  	v20 =	vsel vm12, v20, v55;
	vm6 =	vmand vm1, vm2;
	vm2 =	vgt.f32 v15, v56  }
0x15a: {  	v20 =	vsel vm3, $0x4, v20;
	v16 =	vsel vm6, v16, v17;
	vm2 =	vmneg vm2  }
0x15b: {  	v17 =	vnsel vm12, $0x3, v55;
	v16 =	vsel vm1, v16, v52;
	v60 =	vsel vm2, v56, v15  }
0x15c: {  	v57 =	vld.idx.msk [tilespmem:v50+s7+$0x0], $0xffff;
	v20 =	vsel vm9, v20, v17;
	vm3 =	vgt.f32 v15, v16;
	vm12 =	vgt.f32 v14, v60  }
0x15d: {  	v58 =	vld.idx.msk [tilespmem:v22+s7+$0x0], $0xffff;
	v17 =	vnsel vm9, $0x4, v17;
	vm13 =	vmand vm2, vm3;
	vm3 =	vmneg vm12  }
0x15e: {  	v20 =	vsel vm5, $0x5, v20;
	v61 =	vpop (erf);
	v15 =	vsel vm13, v15, v16;
	v16 =	vsel vm3, v60, v14  }
0x15f: {  	v25 =	vmul.f32 v61, v25;
	v15 =	vsel vm2, v15, v56;
	vm14 =	vgt.f32 v13, v16  }
0x160: {  	v19 =	vmul.f32 v61, v19;
	vm15 =	vgt.f32 v14, v15;
	vm4 =	vmneg vm14  }
0x161: {  	v23 =	vmul.f32 v25, v57;
	vm8 =	vmand vm3, vm15;
	v62 =	vsel vm4, v16, v13  }
0x162: {  	v19 =	vmul.f32 v19, v58;
	v14 =	vsel vm8, v14, v15;
	vm10 =	vgt.f32 v12, v62  }
0x163: {  	v15 =	vsel vm0, v20, v17;
	v14 =	vsel vm3, v14, v60;
	vm5 =	vmneg vm10  }
0x164: {  	v17 =	vnsel vm0, $0x5, v17;
	vm11 =	vgt.f32 v13, v14;
	v63 =	vsel vm5, v62, v12  }
0x165: {  	v15 =	vsel vm6, $0x6, v15;
	vm0 =	vmand vm4, vm11;
	vm12 =	vgt.f32 v11, v63  }
0x166: {  	v15 =	vsel vm1, v15, v17;
	v13 =	vsel vm0, v13, v14;
	vm6 =	vmneg vm12  }
0x167: {  	v14 =	vsel vm13, $0x7, v15;
	v13 =	vsel vm4, v13, v16;
	v15 =	vsel vm6, v63, v11  }
0x168: {  	v16 =	vnsel vm1, $0x6, v17;
	vm1 =	vgt.f32 v12, v13;
	vm13 =	vgt.f32 v10, v15  }
0x169: {  	v14 =	vsel vm2, v14, v16;
	vm1 =	vmand vm5, vm1;
	vm7 =	vmneg vm13  }
0x16a: {  	v16 =	vnsel vm2, $0x7, v16;
	v12 =	vsel vm1, v12, v13;
	v13 =	vsel vm7, v15, v10  }
0x16b: {  	v14 =	vsel vm8, $0x8, v14;
	v12 =	vsel vm5, v12, v62;
	vm2 =	vgt.f32 v9, v13  }
0x16c: {  	v14 =	vsel vm3, v14, v16;
	vm14 =	vgt.f32 v11, v12;
	vm2 =	vmneg vm2  }
0x16d: {  	v17 =	vsel vm0, $0x9, v14;
	vm8 =	vmand vm6, vm14;
	v14 =	vsel vm2, v13, v9  }
0x16e: {  	v16 =	vnsel vm3, $0x8, v16;
	v11 =	vsel vm8, v11, v12;
	vm0 =	vgt.f32 v8, v14  }
0x16f: {  	v12 =	vsel vm4, v17, v16;
	v16 =	vnsel vm4, $0x9, v16;
	v17 =	vsel vm6, v11, v63  }
0x170: {  	vm0 =	vmneg vm0;
	v12 =	vsel vm1, $0xA, v12;
	vm1 =	vgt.f32 v10, v17  }
0x171: {  	s14 =	sadd.s32 $0x80, s14;
	v11 =	vsel vm0, v14, v8;
	v12 =	vsel vm5, v12, v16;
	vm3 =	vmand vm7, vm1  }
0x172: {  	s16 =	sadd.s32 $0x2, s16;
	s29 =	sand.u32 $0x200, s14;
	v16 =	vnsel vm5, $0xA, v16;
	vm1 =	vgt.f32 v7, v11;
	v10 =	vsel vm3, v10, v17  }
0x173: {  	p0 =	slt.u32 s16, $0xE;
	s23 =	sand.u32 $0x70, s18;
	s22 =	sor.u32 $0x8080, s29;
	v12 =	vsel vm8, $0xB, v12;
	vm1 =	vmneg vm1;
	v15 =	vsel vm7, v10, v15  }
.Ltmp0:
0x174: {  	s31 =	sor.u32 s23, s22;
	v12 =	vsel vm6, v12, v16;
	v16 =	vnsel vm6, $0xB, v16;
	vm15 =	vgt.f32 v9, v15;
	(pc) =	sbr.rel @p0 .LBB2_2-.Ltmp0, $4  }
0x175: {  	[tilespmem:s31+$0x0] =	vst v50;
	v10 =	vsel vm1, v11, v7;
	v12 =	vsel vm3, $0xC, v12;
	vm3 =	vmand vm2, vm15  }
0x176: {  	s19 =	sand.u32 $0x60, s17;
	s18 =	sor.u32 s18, s14;
	[tilespmem:s31+$0x80] =	vst v22;
	v12 =	vsel vm7, v12, v16;
	v16 =	vnsel vm7, $0xC, v16;
	v9 =	vsel vm3, v9, v15  }
0x177: {  	s30 =	sor.u32 s17, s14;
	s17 =	sadd.s32 $0x20, s17;
	s18 =	sor.u32 $0x180, s18;
	[tilespmem:s31+$0x100] =	vst v23;
	v15 =	vsel vm2, v9, v13;
	v9 =	vsel vm3, $0xD, v12;
	v12 =	vnsel vm2, $0xD, v16  }
0x178: {  	s21 =	sor.u32 s19, s22;
	s15 =	smov.u32 s20;
	s20 =	sor.u32 $0x180, s30;
	[tilespmem:s18+$0x8080] =	vst v19;
	v13 =	vsel vm2, v9, v16;
	vm2 =	vgt.f32 v8, v15;
	v9 =	vnsel vm0, $0xE, v12  }
0x179: {  	vm2 =	vmand vm0, vm2  }
0x17a: {  	v8 =	vsel vm2, v8, v15  }
0x17b: {  	v8 =	vsel vm0, v8, v14  }
0x17c: {  	vm3 =	vgt.f32 v7, v8  }
0x17d: {  	vm3 =	vmand vm1, vm3  }
0x17e: {  	v56 =	vsel vm3, v7, v8  }
0x17f: {  	v7 =	vsel vm1, v56, v11  }
0x180: {  	v57 =	vadd.f32 v7, v10;
	_ =	sdelay $0x1  }
0x181: {  	v58 =	vsel vm2, $0xE, v13;
	(erf) = vrcp.f32 v57  }
0x182: {  	v59 =	vsel vm0, v58, v12  }
0x183: {  	v60 =	vnsel vm1, $0xF, v9;
	v8 =	vsel vm3, $0xF, v59  }
0x184: {  	v8 =	vsel vm1, v8, v9;
	_ =	sdelay $0x2  }
0x185: {  	v2 =	vmul.f32 v5, v2  }
0x186: {  	v3 =	vmul.f32 v5, v3;
	v61 =	vld.idx.msk [tilespmem:v60+s7+$0x0], $0xffff  }
0x187: {  	v2 =	vmul.f32 v2, v4;
	v62 =	vld.idx.msk [tilespmem:v8+s7+$0x0], $0xffff  }
0x188: {  	v3 =	vmul.f32 v3, v6;
	v63 =	vpop (erf)  }
0x189: {  	[tilespmem:s13+$0x100] =	vst v2;
	v2 =	vmul.f32 v63, v10  }
0x18a: {  	[tilespmem:s15+$0x8080] =	vst v3;
	v3 =	vmul.f32 v63, v7  }
0x18b: {  	[tilespmem:s21+$0x0] =	vst v60;
	v2 =	vmul.f32 v2, v61  }
0x18c: {  	s12 =	sadd.s32 $0x1, s12;
	[tilespmem:s21+$0x80] =	vst v8;
	v3 =	vmul.f32 v3, v62  }
0x18d: {  	p0 =	sne.s32 s12, s6;
	[tilespmem:s21+$0x100] =	vst v2  }
.Ltmp1:
0x18e: {  	[tilespmem:s20+$0x8080] =	vst v3;
	(pc) =	sbr.rel @p0 .LBB2_1-.Ltmp1, $4  }
0x18f: {  	[hbm4b:s5+s3] =	stream.linear.scatter [tilespmem:s10], [sflag:$0x3], $0x400, $0x38;
	[tilespmem:$0x8480] =	vst v63  }
0x190: {  	_ =	swait.ge [sflag:s11], $0x400  }
0x191: {  	[sflag:s11] =	ssyncset.done $0x0  }
0x192: {  	[sflag:s11] =	ssyncadd.s32 $0xFFFFFC00  }
0x193: {  	_ =	sfence.sel $0x180000  }
0x194: {  	[bflag:$0x0] =	sbarrier.arrive $0xFFFF  }
0x195: {  	p0 =	sne.s32 s1, $0x0;
	_ =	strace $0x90000047  }
0x196: {  	s0 =	sadd.s32 @!p0 $0x100000, s0;
	[bflag:$0x2] =	sbarrier.arrive $0xFFFF  }
0x197: {  	[sflag:s0] =	ssyncadd.tile.s32 @!p0 $0x1;
	_ =	shalt  }
.Lfunc_end2:
_tile_overlayer_lowered:
.L_overlay_start_2:
0x198: {  	(tag) =	ssettag $0x2  }
0x199: {  	s0 =	rddreg [dreg:$0x0];
	s2 =	stileid.u32  }
0x19a: {  	s1 =	rddreg [dreg:$0x1];
	p0 =	sne.s32 s2, $0x0  }
0x19b: {  	s3 =	rddreg [dreg:$0x2];
	[bflag:$0x3] =	sbarrier.arrive $0xFFFF;
	s2 =	simm.s32 @!p0 $0x1C03  }
0x19c: {  	[timem:s3], [sflag:s2] =	dma.local @!p0 [hbm:s0], s1  }
0x19d: {  	s0 =	simm.s32 @!p0 $0x3  }
0x19e: {  	_ =	swait.ge @!p0 [sflag:s0], s1  }
0x19f: {  	s1 =	ssub.s32 @!p0 $0x0, s1;
	[sflag:s0] =	ssyncset.done @!p0 $0x0  }
0x1a0: {  	[sflag:s0] =	ssyncadd.s32 @!p0 s1  }
0x1a1: {  	[bflag:$0x3] =	sbarrier.arrive $0xFFFF  }
0x1a2: {  	_ =	shalt  }

</sc_bundles>
